<compile_context>
chip_gen: v7x
topology: tpu7x:2x2x1
jax: 0.10.2.dev20260603
libtpu: 0.0.44.dev20260713+nightly
codegen_flags: <defaults>
</compile_context>

<pallas_src>
import functools

import jax
import jax.numpy as jnp
from jax import lax
from jax.experimental import pallas as pl
from jax.experimental.pallas import tpu as pltpu
from jax.experimental.pallas import tpu_sc as plsc

_NC = 2
_NS = 16
_NW = _NC * _NS

_GATHER_ROWS = 32
_TC_BLOCK = 1024


def _sc_gather(pvs3, idx):
    b = idx.shape[0]
    b_per_w = b // _NW
    n_sub = b_per_w // _GATHER_ROWS

    @functools.partial(
        pl.kernel,
        mesh=plsc.VectorSubcoreMesh(core_axis_name="c", subcore_axis_name="s"),
        out_type=jax.ShapeDtypeStruct((b, 8, 128), jnp.float32),
        scratch_types=[
            pltpu.VMEM((b_per_w,), jnp.int32),
            pltpu.VMEM((_GATHER_ROWS, 8, 128), jnp.float32),
            pltpu.VMEM((_GATHER_ROWS, 8, 128), jnp.float32),
            pltpu.SemaphoreType.DMA,
            pltpu.SemaphoreType.DMA,
            pltpu.SemaphoreType.DMA,
            pltpu.SemaphoreType.DMA,
        ],
    )
    def gather_kernel(table_hbm, idx_hbm, out_hbm, idx_v, buf0, buf1,
                      gsem0, gsem1, wsem0, wsem1):
        wid = lax.axis_index("s") * _NC + lax.axis_index("c")
        base = wid * b_per_w
        pltpu.sync_copy(idx_hbm.at[pl.ds(base, b_per_w)], idx_v)

        bufs = (buf0, buf1)
        gsems = (gsem0, gsem1)
        wsems = (wsem0, wsem1)

        gathers = [
            pltpu.make_async_copy(
                table_hbm.at[idx_v.at[pl.ds(ci * _GATHER_ROWS, _GATHER_ROWS)]],
                bufs[ci % 2],
                gsems[ci % 2],
            )
            for ci in range(n_sub)
        ]
        writes = [
            pltpu.make_async_copy(
                bufs[ci % 2],
                out_hbm.at[pl.ds(base + ci * _GATHER_ROWS, _GATHER_ROWS)],
                wsems[ci % 2],
            )
            for ci in range(n_sub)
        ]

        gathers[0].start()
        for ci in range(n_sub):
            gathers[ci].wait()
            writes[ci].start()
            nxt = ci + 1
            if nxt < n_sub:
                if nxt >= 2:
                    writes[nxt - 2].wait()
                gathers[nxt].start()
        if n_sub >= 2:
            writes[n_sub - 2].wait()
        writes[n_sub - 1].wait()

    return gather_kernel(pvs3, idx)


def _compute_body(qv_ref, qc_ref, pv_ref, qw_ref, lab_ref, out_ref):
    qw = qw_ref[...]
    pv = pv_ref[...].reshape(pv_ref.shape[0], 8 * 128)
    bundled = (
        qv_ref[...] * qw[0:1, :]
        + qc_ref[...] * qw[1:2, :]
        + pv * qw[2:3, :]
    )
    q = jnp.tanh(bundled)
    inv_nq = 1.0 / (jnp.sqrt(jnp.sum(q * q, axis=1, keepdims=True)) + 1e-12)
    lab = lab_ref[...]
    inv_nl = 1.0 / (jnp.sqrt(jnp.sum(lab * lab, axis=1, keepdims=True)) + 1e-12)
    cols = [
        jnp.sum(q * lab[l : l + 1, :], axis=1, keepdims=True) * inv_nl[l, 0]
        for l in range(3)
    ]
    out_ref[...] = jnp.concatenate(cols, axis=1) * inv_nq


def _tc_compute(qv, qc, pv3, qw, label):
    batch, d = qv.shape
    return pl.pallas_call(
        _compute_body,
        grid=(batch // _TC_BLOCK,),
        in_specs=[
            pl.BlockSpec((_TC_BLOCK, d), lambda i: (i, 0)),
            pl.BlockSpec((_TC_BLOCK, d), lambda i: (i, 0)),
            pl.BlockSpec((_TC_BLOCK, 8, 128), lambda i: (i, 0, 0)),
            pl.BlockSpec((3, d), lambda i: (0, 0)),
            pl.BlockSpec((3, d), lambda i: (0, 0)),
        ],
        out_specs=pl.BlockSpec((_TC_BLOCK, 3), lambda i: (i, 0)),
        out_shape=jax.ShapeDtypeStruct((batch, 3), jnp.float32),
    )(qv, qc, pv3, qw, label)


def kernel(query_vec, qclass_vec, pvs, query_weight, label, product_idx):
    idx = product_idx.astype(jnp.int32)
    pvs3 = pvs.reshape(pvs.shape[0], 8, 128)
    pv3 = _sc_gather(pvs3, idx)
    return _tc_compute(query_vec, qclass_vec, pv3, query_weight, label)

# --- scband reference (transcript-rebuilt; emitter-appended) ---
"""Pipeline reference for scband-fast-vss-30142080483945 (READ-ONLY COPY).

The authoritative reference and input builder live on the scoring server;
editing this copy changes nothing except your own understanding.
"""

import jax, jax.numpy as jnp
import numpy as np

N_PRODUCTS = 100000
N_DIM = 1024
BATCH = 16384
N_LABELS = 3


def setup_inputs(seed: int = 0) -> dict:
    key = jax.random.key(seed)
    k1, k2, k3, k4, k5, k6 = jax.random.split(key, 6)
    product_idx = jax.random.randint(k1, (BATCH,), 0, N_PRODUCTS)
    query_vec = jax.random.normal(k2, (BATCH, N_DIM), dtype=jnp.float32)
    qclass_vec = jax.random.normal(k3, (BATCH, N_DIM), dtype=jnp.float32)
    # precomputed, soft-quantized product hypervectors (self.pvs after torchhd.soft_quantize)
    pvs = jnp.tanh(jax.random.normal(k4, (N_PRODUCTS, N_DIM), dtype=jnp.float32))
    # torchhd.embeddings.Random weights are random bipolar {-1, +1} hypervectors
    query_weight = jnp.where(jax.random.uniform(k5, (3, N_DIM)) > 0.5, 1.0, -1.0).astype(jnp.float32)
    label = jnp.where(jax.random.uniform(k6, (N_LABELS, N_DIM)) > 0.5, 1.0, -1.0).astype(jnp.float32)
    return {
        'query_vec': query_vec,
        'qclass_vec': qclass_vec,
        'pvs': pvs,
        'query_weight': query_weight,
        'label': label,
        'product_idx': product_idx,
    }


def reference(query_vec, qclass_vec, pvs, query_weight, label, product_idx):
    # Embedding lookup of precomputed product hypervectors (memory-bound gather)
    pv = jnp.take(pvs, product_idx, axis=0)              # [B, D]
    # query = stack([query_vec, qclass_vec, pvs]).mul(self.query.weight)
    stacked = jnp.stack([query_vec, qclass_vec, pv], axis=1)  # [B, 3, D]
    bound = stacked * query_weight[None, :, :]           # bind with role hypervectors
    # torchhd.multibundle -> sum over the bundled axis
    bundled = jnp.sum(bound, axis=1)                     # [B, D]
    # torchhd.soft_quantize -> tanh
    q = jnp.tanh(bundled)
    # torchhd.cosine_similarity(query, self.label)
    qn = q / (jnp.linalg.norm(q, axis=-1, keepdims=True) + 1e-12)
    ln = label / (jnp.linalg.norm(label, axis=-1, keepdims=True) + 1e-12)
    scores = qn @ ln.T                                   # [B, N_LABELS]
    return scores

if __name__ == "__main__":
    import jax
    _d = setup_inputs()
    print(jax.jit(kernel)(*tuple(_d.values())))

</pallas_src>

<mosaic_0001>
#map = affine_map<(d0, d1) -> (0, 0, 0)>
#map1 = affine_map<(d0, d1) -> (0)>
module attributes {stable_mosaic.version = 14 : i64} {
  func.func @gather_kernel(%arg0: i32, %arg1: i32, %arg2: memref<100000x8x128xf32, #tpu.memory_space<hbm>>, %arg3: memref<16384xi32, #tpu.memory_space<hbm>>, %arg4: memref<16384x8x128xf32, #tpu.memory_space<hbm>>, %arg5: memref<512xi32, #tpu.memory_space<vmem>>, %arg6: memref<32x8x128xf32, #tpu.memory_space<vmem>>, %arg7: memref<32x8x128xf32, #tpu.memory_space<vmem>>, %arg8: memref<!tpu.dma_semaphore, #tpu.memory_space<semaphore_mem>>, %arg9: memref<!tpu.dma_semaphore, #tpu.memory_space<semaphore_mem>>, %arg10: memref<!tpu.dma_semaphore, #tpu.memory_space<semaphore_mem>>, %arg11: memref<!tpu.dma_semaphore, #tpu.memory_space<semaphore_mem>>) attributes {dimension_semantics = [#tpu.dimension_semantics<core_parallel>, #tpu.dimension_semantics<subcore_parallel>], iteration_bounds = array<i64: 2, 16>, scalar_prefetch = 0 : i64, scratch_operands = 7 : i64, tpu.core_type = #tpu.core_type<sc_vector_subcore>, window_params = [{transform_indices = #map}, {transform_indices = #map1}, {transform_indices = #map}]} {
    %mul3A = arith.constant 2 : i32
    %mul3A_0 = arith.muli %arg1, %mul3A : i32
    %add3A = arith.addi %mul3A_0, %arg0 : i32
    %mul3A_1 = arith.constant 512 : i32
    %mul3A_2 = arith.muli %add3A, %mul3A_1 : i32
    "tpu.region"() ({
      %run_scoped3A = tpu.sem_alloc : memref<!tpu.dma_semaphore, #tpu.memory_space<semaphore_mem>>
      %dma_start3A_417 = tpu.memref_slice %arg3[%mul3A_2] : memref<16384xi32, #tpu.memory_space<hbm>> -> memref<512xi32, #tpu.memory_space<hbm>>
      %dma_start3A_418 = tpu.memref_slice %arg3[%mul3A_2] : memref<16384xi32, #tpu.memory_space<hbm>> -> memref<512xi32, #tpu.memory_space<hbm>>
      tpu.enqueue_dma source(%dma_start3A_418 : memref<512xi32, #tpu.memory_space<hbm>>) target(%arg5 : memref<512xi32, #tpu.memory_space<vmem>>) target_semaphore(%run_scoped3A : memref<!tpu.dma_semaphore, #tpu.memory_space<semaphore_mem>>)
      %dma_wait3A_419 = tpu.memref_slice %arg3[%mul3A_2] : memref<16384xi32, #tpu.memory_space<hbm>> -> memref<512xi32, #tpu.memory_space<hbm>>
      %dma_wait3A_420 = tpu.memref_slice %arg3[%mul3A_2] : memref<16384xi32, #tpu.memory_space<hbm>> -> memref<512xi32, #tpu.memory_space<hbm>>
      tpu.wait_dma2 semaphore(%run_scoped3A : memref<!tpu.dma_semaphore, #tpu.memory_space<semaphore_mem>>) src(%dma_wait3A_420 : memref<512xi32, #tpu.memory_space<hbm>>) dst(%arg5 : memref<512xi32, #tpu.memory_space<vmem>>)
      tpu.yield
    }) : () -> ()
    %add3A_3 = arith.constant 0 : i32
    %add3A_4 = arith.addi %mul3A_2, %add3A_3 : i32
    %add3A_5 = arith.constant 32 : i32
    %add3A_6 = arith.addi %mul3A_2, %add3A_5 : i32
    %add3A_7 = arith.constant 64 : i32
    %add3A_8 = arith.addi %mul3A_2, %add3A_7 : i32
    %add3A_9 = arith.constant 96 : i32
    %add3A_10 = arith.addi %mul3A_2, %add3A_9 : i32
    %add3A_11 = arith.constant 128 : i32
    %add3A_12 = arith.addi %mul3A_2, %add3A_11 : i32
    %add3A_13 = arith.constant 160 : i32
    %add3A_14 = arith.addi %mul3A_2, %add3A_13 : i32
    %add3A_15 = arith.constant 192 : i32
    %add3A_16 = arith.addi %mul3A_2, %add3A_15 : i32
    %add3A_17 = arith.constant 224 : i32
    %add3A_18 = arith.addi %mul3A_2, %add3A_17 : i32
    %add3A_19 = arith.constant 256 : i32
    %add3A_20 = arith.addi %mul3A_2, %add3A_19 : i32
    %add3A_21 = arith.constant 288 : i32
    %add3A_22 = arith.addi %mul3A_2, %add3A_21 : i32
    %add3A_23 = arith.constant 320 : i32
    %add3A_24 = arith.addi %mul3A_2, %add3A_23 : i32
    %add3A_25 = arith.constant 352 : i32
    %add3A_26 = arith.addi %mul3A_2, %add3A_25 : i32
    %add3A_27 = arith.constant 384 : i32
    %add3A_28 = arith.addi %mul3A_2, %add3A_27 : i32
    %add3A_29 = arith.constant 416 : i32
    %add3A_30 = arith.addi %mul3A_2, %add3A_29 : i32
    %add3A_31 = arith.constant 448 : i32
    %add3A_32 = arith.addi %mul3A_2, %add3A_31 : i32
    %add3A_33 = arith.constant 480 : i32
    %add3A_34 = arith.addi %mul3A_2, %add3A_33 : i32
    %dma_start3A = arith.constant 0 : i32
    %dma_start3A_35 = tpu.memref_slice %arg5[%dma_start3A] : memref<512xi32, #tpu.memory_space<vmem>> -> memref<32xi32, #tpu.memory_space<vmem>>
    %dma_start3A_36 = arith.constant 0 : i32
    %dma_start3A_37 = arith.constant 0 : i32
    %dma_start3A_38 = arith.constant 0 : i32
    %dma_start3A_39 = tpu.memref_slice %arg2[%dma_start3A_36, %dma_start3A_37, %dma_start3A_38] : memref<100000x8x128xf32, #tpu.memory_space<hbm>> -> memref<100000x8x128xf32, #tpu.memory_space<hbm>>
    tpu.enqueue_indirect_dma source(%dma_start3A_39 : memref<100000x8x128xf32, #tpu.memory_space<hbm>>) target(%arg6 : memref<32x8x128xf32, #tpu.memory_space<vmem>>) offsets(%dma_start3A_35 : memref<32xi32, #tpu.memory_space<vmem>>) semaphore(%arg8 : memref<!tpu.dma_semaphore, #tpu.memory_space<semaphore_mem>>)
    %dma_wait3A = arith.constant 0 : i32
    %dma_wait3A_40 = tpu.memref_slice %arg5[%dma_wait3A] : memref<512xi32, #tpu.memory_space<vmem>> -> memref<32xi32, #tpu.memory_space<vmem>>
    %dma_wait3A_41 = arith.constant 0 : i32
    %dma_wait3A_42 = arith.constant 0 : i32
    %dma_wait3A_43 = arith.constant 0 : i32
    %dma_wait3A_44 = tpu.memref_slice %arg2[%dma_wait3A_41, %dma_wait3A_42, %dma_wait3A_43] : memref<100000x8x128xf32, #tpu.memory_space<hbm>> -> memref<100000x8x128xf32, #tpu.memory_space<hbm>>
    tpu.wait_indirect_dma semaphore(%arg8 : memref<!tpu.dma_semaphore, #tpu.memory_space<semaphore_mem>>) src(%dma_wait3A_44 : memref<100000x8x128xf32, #tpu.memory_space<hbm>>) dst(%arg6 : memref<32x8x128xf32, #tpu.memory_space<vmem>>)
    %dma_start3A_45 = arith.constant 0 : i32
    %dma_start3A_46 = arith.constant 0 : i32
    %dma_start3A_47 = tpu.memref_slice %arg4[%add3A_4, %dma_start3A_45, %dma_start3A_46] : memref<16384x8x128xf32, #tpu.memory_space<hbm>> -> memref<32x8x128xf32, #tpu.memory_space<hbm>>
    %dma_start3A_48 = arith.constant 0 : i32
    %dma_start3A_49 = arith.constant 0 : i32
    %dma_start3A_50 = tpu.memref_slice %arg4[%add3A_4, %dma_start3A_48, %dma_start3A_49] : memref<16384x8x128xf32, #tpu.memory_space<hbm>> -> memref<32x8x128xf32, #tpu.memory_space<hbm>>
    tpu.enqueue_dma source(%arg6 : memref<32x8x128xf32, #tpu.memory_space<vmem>>) target(%dma_start3A_50 : memref<32x8x128xf32, #tpu.memory_space<hbm>>) target_semaphore(%arg10 : memref<!tpu.dma_semaphore, #tpu.memory_space<semaphore_mem>>)
    %dma_start3A_51 = arith.constant 32 : i32
    %dma_start3A_52 = tpu.memref_slice %arg5[%dma_start3A_51] : memref<512xi32, #tpu.memory_space<vmem>> -> memref<32xi32, #tpu.memory_space<vmem>>
    %dma_start3A_53 = arith.constant 0 : i32
    %dma_start3A_54 = arith.constant 0 : i32
    %dma_start3A_55 = arith.constant 0 : i32
    %dma_start3A_56 = tpu.memref_slice %arg2[%dma_start3A_53, %dma_start3A_54, %dma_start3A_55] : memref<100000x8x128xf32, #tpu.memory_space<hbm>> -> memref<100000x8x128xf32, #tpu.memory_space<hbm>>
    tpu.enqueue_indirect_dma source(%dma_start3A_56 : memref<100000x8x128xf32, #tpu.memory_space<hbm>>) target(%arg7 : memref<32x8x128xf32, #tpu.memory_space<vmem>>) offsets(%dma_start3A_52 : memref<32xi32, #tpu.memory_space<vmem>>) semaphore(%arg9 : memref<!tpu.dma_semaphore, #tpu.memory_space<semaphore_mem>>)
    %dma_wait3A_57 = arith.constant 32 : i32
    %dma_wait3A_58 = tpu.memref_slice %arg5[%dma_wait3A_57] : memref<512xi32, #tpu.memory_space<vmem>> -> memref<32xi32, #tpu.memory_space<vmem>>
    %dma_wait3A_59 = arith.constant 0 : i32
    %dma_wait3A_60 = arith.constant 0 : i32
    %dma_wait3A_61 = arith.constant 0 : i32
    %dma_wait3A_62 = tpu.memref_slice %arg2[%dma_wait3A_59, %dma_wait3A_60, %dma_wait3A_61] : memref<100000x8x128xf32, #tpu.memory_space<hbm>> -> memref<100000x8x128xf32, #tpu.memory_space<hbm>>
    tpu.wait_indirect_dma semaphore(%arg9 : memref<!tpu.dma_semaphore, #tpu.memory_space<semaphore_mem>>) src(%dma_wait3A_62 : memref<100000x8x128xf32, #tpu.memory_space<hbm>>) dst(%arg7 : memref<32x8x128xf32, #tpu.memory_space<vmem>>)
    %dma_start3A_63 = arith.constant 0 : i32
    %dma_start3A_64 = arith.constant 0 : i32
    %dma_start3A_65 = tpu.memref_slice %arg4[%add3A_6, %dma_start3A_63, %dma_start3A_64] : memref<16384x8x128xf32, #tpu.memory_space<hbm>> -> memref<32x8x128xf32, #tpu.memory_space<hbm>>
    %dma_start3A_66 = arith.constant 0 : i32
    %dma_start3A_67 = arith.constant 0 : i32
    %dma_start3A_68 = tpu.memref_slice %arg4[%add3A_6, %dma_start3A_66, %dma_start3A_67] : memref<16384x8x128xf32, #tpu.memory_space<hbm>> -> memref<32x8x128xf32, #tpu.memory_space<hbm>>
    tpu.enqueue_dma source(%arg7 : memref<32x8x128xf32, #tpu.memory_space<vmem>>) target(%dma_start3A_68 : memref<32x8x128xf32, #tpu.memory_space<hbm>>) target_semaphore(%arg11 : memref<!tpu.dma_semaphore, #tpu.memory_space<semaphore_mem>>)
    %dma_wait3A_69 = arith.constant 0 : i32
    %dma_wait3A_70 = arith.constant 0 : i32
    %dma_wait3A_71 = tpu.memref_slice %arg4[%add3A_4, %dma_wait3A_69, %dma_wait3A_70] : memref<16384x8x128xf32, #tpu.memory_space<hbm>> -> memref<32x8x128xf32, #tpu.memory_space<hbm>>
    %dma_wait3A_72 = arith.constant 0 : i32
    %dma_wait3A_73 = arith.constant 0 : i32
    %dma_wait3A_74 = tpu.memref_slice %arg4[%add3A_4, %dma_wait3A_72, %dma_wait3A_73] : memref<16384x8x128xf32, #tpu.memory_space<hbm>> -> memref<32x8x128xf32, #tpu.memory_space<hbm>>
    tpu.wait_dma2 semaphore(%arg10 : memref<!tpu.dma_semaphore, #tpu.memory_space<semaphore_mem>>) src(%arg6 : memref<32x8x128xf32, #tpu.memory_space<vmem>>) dst(%dma_wait3A_74 : memref<32x8x128xf32, #tpu.memory_space<hbm>>)
    %dma_start3A_75 = arith.constant 64 : i32
    %dma_start3A_76 = tpu.memref_slice %arg5[%dma_start3A_75] : memref<512xi32, #tpu.memory_space<vmem>> -> memref<32xi32, #tpu.memory_space<vmem>>
    %dma_start3A_77 = arith.constant 0 : i32
    %dma_start3A_78 = arith.constant 0 : i32
    %dma_start3A_79 = arith.constant 0 : i32
    %dma_start3A_80 = tpu.memref_slice %arg2[%dma_start3A_77, %dma_start3A_78, %dma_start3A_79] : memref<100000x8x128xf32, #tpu.memory_space<hbm>> -> memref<100000x8x128xf32, #tpu.memory_space<hbm>>
    tpu.enqueue_indirect_dma source(%dma_start3A_80 : memref<100000x8x128xf32, #tpu.memory_space<hbm>>) target(%arg6 : memref<32x8x128xf32, #tpu.memory_space<vmem>>) offsets(%dma_start3A_76 : memref<32xi32, #tpu.memory_space<vmem>>) semaphore(%arg8 : memref<!tpu.dma_semaphore, #tpu.memory_space<semaphore_mem>>)
    %dma_wait3A_81 = arith.constant 64 : i32
    %dma_wait3A_82 = tpu.memref_slice %arg5[%dma_wait3A_81] : memref<512xi32, #tpu.memory_space<vmem>> -> memref<32xi32, #tpu.memory_space<vmem>>
    %dma_wait3A_83 = arith.constant 0 : i32
    %dma_wait3A_84 = arith.constant 0 : i32
    %dma_wait3A_85 = arith.constant 0 : i32
    %dma_wait3A_86 = tpu.memref_slice %arg2[%dma_wait3A_83, %dma_wait3A_84, %dma_wait3A_85] : memref<100000x8x128xf32, #tpu.memory_space<hbm>> -> memref<100000x8x128xf32, #tpu.memory_space<hbm>>
    tpu.wait_indirect_dma semaphore(%arg8 : memref<!tpu.dma_semaphore, #tpu.memory_space<semaphore_mem>>) src(%dma_wait3A_86 : memref<100000x8x128xf32, #tpu.memory_space<hbm>>) dst(%arg6 : memref<32x8x128xf32, #tpu.memory_space<vmem>>)
    %dma_start3A_87 = arith.constant 0 : i32
    %dma_start3A_88 = arith.constant 0 : i32
    %dma_start3A_89 = tpu.memref_slice %arg4[%add3A_8, %dma_start3A_87, %dma_start3A_88] : memref<16384x8x128xf32, #tpu.memory_space<hbm>> -> memref<32x8x128xf32, #tpu.memory_space<hbm>>
    %dma_start3A_90 = arith.constant 0 : i32
    %dma_start3A_91 = arith.constant 0 : i32
    %dma_start3A_92 = tpu.memref_slice %arg4[%add3A_8, %dma_start3A_90, %dma_start3A_91] : memref<16384x8x128xf32, #tpu.memory_space<hbm>> -> memref<32x8x128xf32, #tpu.memory_space<hbm>>
    tpu.enqueue_dma source(%arg6 : memref<32x8x128xf32, #tpu.memory_space<vmem>>) target(%dma_start3A_92 : memref<32x8x128xf32, #tpu.memory_space<hbm>>) target_semaphore(%arg10 : memref<!tpu.dma_semaphore, #tpu.memory_space<semaphore_mem>>)
    %dma_wait3A_93 = arith.constant 0 : i32
    %dma_wait3A_94 = arith.constant 0 : i32
    %dma_wait3A_95 = tpu.memref_slice %arg4[%add3A_6, %dma_wait3A_93, %dma_wait3A_94] : memref<16384x8x128xf32, #tpu.memory_space<hbm>> -> memref<32x8x128xf32, #tpu.memory_space<hbm>>
    %dma_wait3A_96 = arith.constant 0 : i32
    %dma_wait3A_97 = arith.constant 0 : i32
    %dma_wait3A_98 = tpu.memref_slice %arg4[%add3A_6, %dma_wait3A_96, %dma_wait3A_97] : memref<16384x8x128xf32, #tpu.memory_space<hbm>> -> memref<32x8x128xf32, #tpu.memory_space<hbm>>
    tpu.wait_dma2 semaphore(%arg11 : memref<!tpu.dma_semaphore, #tpu.memory_space<semaphore_mem>>) src(%arg7 : memref<32x8x128xf32, #tpu.memory_space<vmem>>) dst(%dma_wait3A_98 : memref<32x8x128xf32, #tpu.memory_space<hbm>>)
    %dma_start3A_99 = arith.constant 96 : i32
    %dma_start3A_100 = tpu.memref_slice %arg5[%dma_start3A_99] : memref<512xi32, #tpu.memory_space<vmem>> -> memref<32xi32, #tpu.memory_space<vmem>>
    %dma_start3A_101 = arith.constant 0 : i32
    %dma_start3A_102 = arith.constant 0 : i32
    %dma_start3A_103 = arith.constant 0 : i32
    %dma_start3A_104 = tpu.memref_slice %arg2[%dma_start3A_101, %dma_start3A_102, %dma_start3A_103] : memref<100000x8x128xf32, #tpu.memory_space<hbm>> -> memref<100000x8x128xf32, #tpu.memory_space<hbm>>
    tpu.enqueue_indirect_dma source(%dma_start3A_104 : memref<100000x8x128xf32, #tpu.memory_space<hbm>>) target(%arg7 : memref<32x8x128xf32, #tpu.memory_space<vmem>>) offsets(%dma_start3A_100 : memref<32xi32, #tpu.memory_space<vmem>>) semaphore(%arg9 : memref<!tpu.dma_semaphore, #tpu.memory_space<semaphore_mem>>)
    %dma_wait3A_105 = arith.constant 96 : i32
    %dma_wait3A_106 = tpu.memref_slice %arg5[%dma_wait3A_105] : memref<512xi32, #tpu.memory_space<vmem>> -> memref<32xi32, #tpu.memory_space<vmem>>
    %dma_wait3A_107 = arith.constant 0 : i32
    %dma_wait3A_108 = arith.constant 0 : i32
    %dma_wait3A_109 = arith.constant 0 : i32
    %dma_wait3A_110 = tpu.memref_slice %arg2[%dma_wait3A_107, %dma_wait3A_108, %dma_wait3A_109] : memref<100000x8x128xf32, #tpu.memory_space<hbm>> -> memref<100000x8x128xf32, #tpu.memory_space<hbm>>
    tpu.wait_indirect_dma semaphore(%arg9 : memref<!tpu.dma_semaphore, #tpu.memory_space<semaphore_mem>>) src(%dma_wait3A_110 : memref<100000x8x128xf32, #tpu.memory_space<hbm>>) dst(%arg7 : memref<32x8x128xf32, #tpu.memory_space<vmem>>)
    %dma_start3A_111 = arith.constant 0 : i32
    %dma_start3A_112 = arith.constant 0 : i32
    %dma_start3A_113 = tpu.memref_slice %arg4[%add3A_10, %dma_start3A_111, %dma_start3A_112] : memref<16384x8x128xf32, #tpu.memory_space<hbm>> -> memref<32x8x128xf32, #tpu.memory_space<hbm>>
    %dma_start3A_114 = arith.constant 0 : i32
    %dma_start3A_115 = arith.constant 0 : i32
    %dma_start3A_116 = tpu.memref_slice %arg4[%add3A_10, %dma_start3A_114, %dma_start3A_115] : memref<16384x8x128xf32, #tpu.memory_space<hbm>> -> memref<32x8x128xf32, #tpu.memory_space<hbm>>
    tpu.enqueue_dma source(%arg7 : memref<32x8x128xf32, #tpu.memory_space<vmem>>) target(%dma_start3A_116 : memref<32x8x128xf32, #tpu.memory_space<hbm>>) target_semaphore(%arg11 : memref<!tpu.dma_semaphore, #tpu.memory_space<semaphore_mem>>)
    %dma_wait3A_117 = arith.constant 0 : i32
    %dma_wait3A_118 = arith.constant 0 : i32
    %dma_wait3A_119 = tpu.memref_slice %arg4[%add3A_8, %dma_wait3A_117, %dma_wait3A_118] : memref<16384x8x128xf32, #tpu.memory_space<hbm>> -> memref<32x8x128xf32, #tpu.memory_space<hbm>>
    %dma_wait3A_120 = arith.constant 0 : i32
    %dma_wait3A_121 = arith.constant 0 : i32
    %dma_wait3A_122 = tpu.memref_slice %arg4[%add3A_8, %dma_wait3A_120, %dma_wait3A_121] : memref<16384x8x128xf32, #tpu.memory_space<hbm>> -> memref<32x8x128xf32, #tpu.memory_space<hbm>>
    tpu.wait_dma2 semaphore(%arg10 : memref<!tpu.dma_semaphore, #tpu.memory_space<semaphore_mem>>) src(%arg6 : memref<32x8x128xf32, #tpu.memory_space<vmem>>) dst(%dma_wait3A_122 : memref<32x8x128xf32, #tpu.memory_space<hbm>>)
    %dma_start3A_123 = arith.constant 128 : i32
    %dma_start3A_124 = tpu.memref_slice %arg5[%dma_start3A_123] : memref<512xi32, #tpu.memory_space<vmem>> -> memref<32xi32, #tpu.memory_space<vmem>>
    %dma_start3A_125 = arith.constant 0 : i32
    %dma_start3A_126 = arith.constant 0 : i32
    %dma_start3A_127 = arith.constant 0 : i32
    %dma_start3A_128 = tpu.memref_slice %arg2[%dma_start3A_125, %dma_start3A_126, %dma_start3A_127] : memref<100000x8x128xf32, #tpu.memory_space<hbm>> -> memref<100000x8x128xf32, #tpu.memory_space<hbm>>
    tpu.enqueue_indirect_dma source(%dma_start3A_128 : memref<100000x8x128xf32, #tpu.memory_space<hbm>>) target(%arg6 : memref<32x8x128xf32, #tpu.memory_space<vmem>>) offsets(%dma_start3A_124 : memref<32xi32, #tpu.memory_space<vmem>>) semaphore(%arg8 : memref<!tpu.dma_semaphore, #tpu.memory_space<semaphore_mem>>)
    %dma_wait3A_129 = arith.constant 128 : i32
    %dma_wait3A_130 = tpu.memref_slice %arg5[%dma_wait3A_129] : memref<512xi32, #tpu.memory_space<vmem>> -> memref<32xi32, #tpu.memory_space<vmem>>
    %dma_wait3A_131 = arith.constant 0 : i32
    %dma_wait3A_132 = arith.constant 0 : i32
    %dma_wait3A_133 = arith.constant 0 : i32
    %dma_wait3A_134 = tpu.memref_slice %arg2[%dma_wait3A_131, %dma_wait3A_132, %dma_wait3A_133] : memref<100000x8x128xf32, #tpu.memory_space<hbm>> -> memref<100000x8x128xf32, #tpu.memory_space<hbm>>
    tpu.wait_indirect_dma semaphore(%arg8 : memref<!tpu.dma_semaphore, #tpu.memory_space<semaphore_mem>>) src(%dma_wait3A_134 : memref<100000x8x128xf32, #tpu.memory_space<hbm>>) dst(%arg6 : memref<32x8x128xf32, #tpu.memory_space<vmem>>)
    %dma_start3A_135 = arith.constant 0 : i32
    %dma_start3A_136 = arith.constant 0 : i32
    %dma_start3A_137 = tpu.memref_slice %arg4[%add3A_12, %dma_start3A_135, %dma_start3A_136] : memref<16384x8x128xf32, #tpu.memory_space<hbm>> -> memref<32x8x128xf32, #tpu.memory_space<hbm>>
    %dma_start3A_138 = arith.constant 0 : i32
    %dma_start3A_139 = arith.constant 0 : i32
    %dma_start3A_140 = tpu.memref_slice %arg4[%add3A_12, %dma_start3A_138, %dma_start3A_139] : memref<16384x8x128xf32, #tpu.memory_space<hbm>> -> memref<32x8x128xf32, #tpu.memory_space<hbm>>
    tpu.enqueue_dma source(%arg6 : memref<32x8x128xf32, #tpu.memory_space<vmem>>) target(%dma_start3A_140 : memref<32x8x128xf32, #tpu.memory_space<hbm>>) target_semaphore(%arg10 : memref<!tpu.dma_semaphore, #tpu.memory_space<semaphore_mem>>)
    %dma_wait3A_141 = arith.constant 0 : i32
    %dma_wait3A_142 = arith.constant 0 : i32
    %dma_wait3A_143 = tpu.memref_slice %arg4[%add3A_10, %dma_wait3A_141, %dma_wait3A_142] : memref<16384x8x128xf32, #tpu.memory_space<hbm>> -> memref<32x8x128xf32, #tpu.memory_space<hbm>>
    %dma_wait3A_144 = arith.constant 0 : i32
    %dma_wait3A_145 = arith.constant 0 : i32
    %dma_wait3A_146 = tpu.memref_slice %arg4[%add3A_10, %dma_wait3A_144, %dma_wait3A_145] : memref<16384x8x128xf32, #tpu.memory_space<hbm>> -> memref<32x8x128xf32, #tpu.memory_space<hbm>>
    tpu.wait_dma2 semaphore(%arg11 : memref<!tpu.dma_semaphore, #tpu.memory_space<semaphore_mem>>) src(%arg7 : memref<32x8x128xf32, #tpu.memory_space<vmem>>) dst(%dma_wait3A_146 : memref<32x8x128xf32, #tpu.memory_space<hbm>>)
    %dma_start3A_147 = arith.constant 160 : i32
    %dma_start3A_148 = tpu.memref_slice %arg5[%dma_start3A_147] : memref<512xi32, #tpu.memory_space<vmem>> -> memref<32xi32, #tpu.memory_space<vmem>>
    %dma_start3A_149 = arith.constant 0 : i32
    %dma_start3A_150 = arith.constant 0 : i32
    %dma_start3A_151 = arith.constant 0 : i32
    %dma_start3A_152 = tpu.memref_slice %arg2[%dma_start3A_149, %dma_start3A_150, %dma_start3A_151] : memref<100000x8x128xf32, #tpu.memory_space<hbm>> -> memref<100000x8x128xf32, #tpu.memory_space<hbm>>
    tpu.enqueue_indirect_dma source(%dma_start3A_152 : memref<100000x8x128xf32, #tpu.memory_space<hbm>>) target(%arg7 : memref<32x8x128xf32, #tpu.memory_space<vmem>>) offsets(%dma_start3A_148 : memref<32xi32, #tpu.memory_space<vmem>>) semaphore(%arg9 : memref<!tpu.dma_semaphore, #tpu.memory_space<semaphore_mem>>)
    %dma_wait3A_153 = arith.constant 160 : i32
    %dma_wait3A_154 = tpu.memref_slice %arg5[%dma_wait3A_153] : memref<512xi32, #tpu.memory_space<vmem>> -> memref<32xi32, #tpu.memory_space<vmem>>
    %dma_wait3A_155 = arith.constant 0 : i32
    %dma_wait3A_156 = arith.constant 0 : i32
    %dma_wait3A_157 = arith.constant 0 : i32
    %dma_wait3A_158 = tpu.memref_slice %arg2[%dma_wait3A_155, %dma_wait3A_156, %dma_wait3A_157] : memref<100000x8x128xf32, #tpu.memory_space<hbm>> -> memref<100000x8x128xf32, #tpu.memory_space<hbm>>
    tpu.wait_indirect_dma semaphore(%arg9 : memref<!tpu.dma_semaphore, #tpu.memory_space<semaphore_mem>>) src(%dma_wait3A_158 : memref<100000x8x128xf32, #tpu.memory_space<hbm>>) dst(%arg7 : memref<32x8x128xf32, #tpu.memory_space<vmem>>)
    %dma_start3A_159 = arith.constant 0 : i32
    %dma_start3A_160 = arith.constant 0 : i32
    %dma_start3A_161 = tpu.memref_slice %arg4[%add3A_14, %dma_start3A_159, %dma_start3A_160] : memref<16384x8x128xf32, #tpu.memory_space<hbm>> -> memref<32x8x128xf32, #tpu.memory_space<hbm>>
    %dma_start3A_162 = arith.constant 0 : i32
    %dma_start3A_163 = arith.constant 0 : i32
    %dma_start3A_164 = tpu.memref_slice %arg4[%add3A_14, %dma_start3A_162, %dma_start3A_163] : memref<16384x8x128xf32, #tpu.memory_space<hbm>> -> memref<32x8x128xf32, #tpu.memory_space<hbm>>
    tpu.enqueue_dma source(%arg7 : memref<32x8x128xf32, #tpu.memory_space<vmem>>) target(%dma_start3A_164 : memref<32x8x128xf32, #tpu.memory_space<hbm>>) target_semaphore(%arg11 : memref<!tpu.dma_semaphore, #tpu.memory_space<semaphore_mem>>)
    %dma_wait3A_165 = arith.constant 0 : i32
    %dma_wait3A_166 = arith.constant 0 : i32
    %dma_wait3A_167 = tpu.memref_slice %arg4[%add3A_12, %dma_wait3A_165, %dma_wait3A_166] : memref<16384x8x128xf32, #tpu.memory_space<hbm>> -> memref<32x8x128xf32, #tpu.memory_space<hbm>>
    %dma_wait3A_168 = arith.constant 0 : i32
    %dma_wait3A_169 = arith.constant 0 : i32
    %dma_wait3A_170 = tpu.memref_slice %arg4[%add3A_12, %dma_wait3A_168, %dma_wait3A_169] : memref<16384x8x128xf32, #tpu.memory_space<hbm>> -> memref<32x8x128xf32, #tpu.memory_space<hbm>>
    tpu.wait_dma2 semaphore(%arg10 : memref<!tpu.dma_semaphore, #tpu.memory_space<semaphore_mem>>) src(%arg6 : memref<32x8x128xf32, #tpu.memory_space<vmem>>) dst(%dma_wait3A_170 : memref<32x8x128xf32, #tpu.memory_space<hbm>>)
    %dma_start3A_171 = arith.constant 192 : i32
    %dma_start3A_172 = tpu.memref_slice %arg5[%dma_start3A_171] : memref<512xi32, #tpu.memory_space<vmem>> -> memref<32xi32, #tpu.memory_space<vmem>>
    %dma_start3A_173 = arith.constant 0 : i32
    %dma_start3A_174 = arith.constant 0 : i32
    %dma_start3A_175 = arith.constant 0 : i32
    %dma_start3A_176 = tpu.memref_slice %arg2[%dma_start3A_173, %dma_start3A_174, %dma_start3A_175] : memref<100000x8x128xf32, #tpu.memory_space<hbm>> -> memref<100000x8x128xf32, #tpu.memory_space<hbm>>
    tpu.enqueue_indirect_dma source(%dma_start3A_176 : memref<100000x8x128xf32, #tpu.memory_space<hbm>>) target(%arg6 : memref<32x8x128xf32, #tpu.memory_space<vmem>>) offsets(%dma_start3A_172 : memref<32xi32, #tpu.memory_space<vmem>>) semaphore(%arg8 : memref<!tpu.dma_semaphore, #tpu.memory_space<semaphore_mem>>)
    %dma_wait3A_177 = arith.constant 192 : i32
    %dma_wait3A_178 = tpu.memref_slice %arg5[%dma_wait3A_177] : memref<512xi32, #tpu.memory_space<vmem>> -> memref<32xi32, #tpu.memory_space<vmem>>
    %dma_wait3A_179 = arith.constant 0 : i32
    %dma_wait3A_180 = arith.constant 0 : i32
    %dma_wait3A_181 = arith.constant 0 : i32
    %dma_wait3A_182 = tpu.memref_slice %arg2[%dma_wait3A_179, %dma_wait3A_180, %dma_wait3A_181] : memref<100000x8x128xf32, #tpu.memory_space<hbm>> -> memref<100000x8x128xf32, #tpu.memory_space<hbm>>
    tpu.wait_indirect_dma semaphore(%arg8 : memref<!tpu.dma_semaphore, #tpu.memory_space<semaphore_mem>>) src(%dma_wait3A_182 : memref<100000x8x128xf32, #tpu.memory_space<hbm>>) dst(%arg6 : memref<32x8x128xf32, #tpu.memory_space<vmem>>)
    %dma_start3A_183 = arith.constant 0 : i32
    %dma_start3A_184 = arith.constant 0 : i32
    %dma_start3A_185 = tpu.memref_slice %arg4[%add3A_16, %dma_start3A_183, %dma_start3A_184] : memref<16384x8x128xf32, #tpu.memory_space<hbm>> -> memref<32x8x128xf32, #tpu.memory_space<hbm>>
    %dma_start3A_186 = arith.constant 0 : i32
    %dma_start3A_187 = arith.constant 0 : i32
    %dma_start3A_188 = tpu.memref_slice %arg4[%add3A_16, %dma_start3A_186, %dma_start3A_187] : memref<16384x8x128xf32, #tpu.memory_space<hbm>> -> memref<32x8x128xf32, #tpu.memory_space<hbm>>
    tpu.enqueue_dma source(%arg6 : memref<32x8x128xf32, #tpu.memory_space<vmem>>) target(%dma_start3A_188 : memref<32x8x128xf32, #tpu.memory_space<hbm>>) target_semaphore(%arg10 : memref<!tpu.dma_semaphore, #tpu.memory_space<semaphore_mem>>)
    %dma_wait3A_189 = arith.constant 0 : i32
    %dma_wait3A_190 = arith.constant 0 : i32
    %dma_wait3A_191 = tpu.memref_slice %arg4[%add3A_14, %dma_wait3A_189, %dma_wait3A_190] : memref<16384x8x128xf32, #tpu.memory_space<hbm>> -> memref<32x8x128xf32, #tpu.memory_space<hbm>>
    %dma_wait3A_192 = arith.constant 0 : i32
    %dma_wait3A_193 = arith.constant 0 : i32
    %dma_wait3A_194 = tpu.memref_slice %arg4[%add3A_14, %dma_wait3A_192, %dma_wait3A_193] : memref<16384x8x128xf32, #tpu.memory_space<hbm>> -> memref<32x8x128xf32, #tpu.memory_space<hbm>>
    tpu.wait_dma2 semaphore(%arg11 : memref<!tpu.dma_semaphore, #tpu.memory_space<semaphore_mem>>) src(%arg7 : memref<32x8x128xf32, #tpu.memory_space<vmem>>) dst(%dma_wait3A_194 : memref<32x8x128xf32, #tpu.memory_space<hbm>>)
    %dma_start3A_195 = arith.constant 224 : i32
    %dma_start3A_196 = tpu.memref_slice %arg5[%dma_start3A_195] : memref<512xi32, #tpu.memory_space<vmem>> -> memref<32xi32, #tpu.memory_space<vmem>>
    %dma_start3A_197 = arith.constant 0 : i32
    %dma_start3A_198 = arith.constant 0 : i32
    %dma_start3A_199 = arith.constant 0 : i32
    %dma_start3A_200 = tpu.memref_slice %arg2[%dma_start3A_197, %dma_start3A_198, %dma_start3A_199] : memref<100000x8x128xf32, #tpu.memory_space<hbm>> -> memref<100000x8x128xf32, #tpu.memory_space<hbm>>
    tpu.enqueue_indirect_dma source(%dma_start3A_200 : memref<100000x8x128xf32, #tpu.memory_space<hbm>>) target(%arg7 : memref<32x8x128xf32, #tpu.memory_space<vmem>>) offsets(%dma_start3A_196 : memref<32xi32, #tpu.memory_space<vmem>>) semaphore(%arg9 : memref<!tpu.dma_semaphore, #tpu.memory_space<semaphore_mem>>)
    %dma_wait3A_201 = arith.constant 224 : i32
    %dma_wait3A_202 = tpu.memref_slice %arg5[%dma_wait3A_201] : memref<512xi32, #tpu.memory_space<vmem>> -> memref<32xi32, #tpu.memory_space<vmem>>
    %dma_wait3A_203 = arith.constant 0 : i32
    %dma_wait3A_204 = arith.constant 0 : i32
    %dma_wait3A_205 = arith.constant 0 : i32
    %dma_wait3A_206 = tpu.memref_slice %arg2[%dma_wait3A_203, %dma_wait3A_204, %dma_wait3A_205] : memref<100000x8x128xf32, #tpu.memory_space<hbm>> -> memref<100000x8x128xf32, #tpu.memory_space<hbm>>
    tpu.wait_indirect_dma semaphore(%arg9 : memref<!tpu.dma_semaphore, #tpu.memory_space<semaphore_mem>>) src(%dma_wait3A_206 : memref<100000x8x128xf32, #tpu.memory_space<hbm>>) dst(%arg7 : memref<32x8x128xf32, #tpu.memory_space<vmem>>)
    %dma_start3A_207 = arith.constant 0 : i32
    %dma_start3A_208 = arith.constant 0 : i32
    %dma_start3A_209 = tpu.memref_slice %arg4[%add3A_18, %dma_start3A_207, %dma_start3A_208] : memref<16384x8x128xf32, #tpu.memory_space<hbm>> -> memref<32x8x128xf32, #tpu.memory_space<hbm>>
    %dma_start3A_210 = arith.constant 0 : i32
    %dma_start3A_211 = arith.constant 0 : i32
    %dma_start3A_212 = tpu.memref_slice %arg4[%add3A_18, %dma_start3A_210, %dma_start3A_211] : memref<16384x8x128xf32, #tpu.memory_space<hbm>> -> memref<32x8x128xf32, #tpu.memory_space<hbm>>
    tpu.enqueue_dma source(%arg7 : memref<32x8x128xf32, #tpu.memory_space<vmem>>) target(%dma_start3A_212 : memref<32x8x128xf32, #tpu.memory_space<hbm>>) target_semaphore(%arg11 : memref<!tpu.dma_semaphore, #tpu.memory_space<semaphore_mem>>)
    %dma_wait3A_213 = arith.constant 0 : i32
    %dma_wait3A_214 = arith.constant 0 : i32
    %dma_wait3A_215 = tpu.memref_slice %arg4[%add3A_16, %dma_wait3A_213, %dma_wait3A_214] : memref<16384x8x128xf32, #tpu.memory_space<hbm>> -> memref<32x8x128xf32, #tpu.memory_space<hbm>>
    %dma_wait3A_216 = arith.constant 0 : i32
    %dma_wait3A_217 = arith.constant 0 : i32
    %dma_wait3A_218 = tpu.memref_slice %arg4[%add3A_16, %dma_wait3A_216, %dma_wait3A_217] : memref<16384x8x128xf32, #tpu.memory_space<hbm>> -> memref<32x8x128xf32, #tpu.memory_space<hbm>>
    tpu.wait_dma2 semaphore(%arg10 : memref<!tpu.dma_semaphore, #tpu.memory_space<semaphore_mem>>) src(%arg6 : memref<32x8x128xf32, #tpu.memory_space<vmem>>) dst(%dma_wait3A_218 : memref<32x8x128xf32, #tpu.memory_space<hbm>>)
    %dma_start3A_219 = arith.constant 256 : i32
    %dma_start3A_220 = tpu.memref_slice %arg5[%dma_start3A_219] : memref<512xi32, #tpu.memory_space<vmem>> -> memref<32xi32, #tpu.memory_space<vmem>>
    %dma_start3A_221 = arith.constant 0 : i32
    %dma_start3A_222 = arith.constant 0 : i32
    %dma_start3A_223 = arith.constant 0 : i32
    %dma_start3A_224 = tpu.memref_slice %arg2[%dma_start3A_221, %dma_start3A_222, %dma_start3A_223] : memref<100000x8x128xf32, #tpu.memory_space<hbm>> -> memref<100000x8x128xf32, #tpu.memory_space<hbm>>
    tpu.enqueue_indirect_dma source(%dma_start3A_224 : memref<100000x8x128xf32, #tpu.memory_space<hbm>>) target(%arg6 : memref<32x8x128xf32, #tpu.memory_space<vmem>>) offsets(%dma_start3A_220 : memref<32xi32, #tpu.memory_space<vmem>>) semaphore(%arg8 : memref<!tpu.dma_semaphore, #tpu.memory_space<semaphore_mem>>)
    %dma_wait3A_225 = arith.constant 256 : i32
    %dma_wait3A_226 = tpu.memref_slice %arg5[%dma_wait3A_225] : memref<512xi32, #tpu.memory_space<vmem>> -> memref<32xi32, #tpu.memory_space<vmem>>
    %dma_wait3A_227 = arith.constant 0 : i32
    %dma_wait3A_228 = arith.constant 0 : i32
    %dma_wait3A_229 = arith.constant 0 : i32
    %dma_wait3A_230 = tpu.memref_slice %arg2[%dma_wait3A_227, %dma_wait3A_228, %dma_wait3A_229] : memref<100000x8x128xf32, #tpu.memory_space<hbm>> -> memref<100000x8x128xf32, #tpu.memory_space<hbm>>
    tpu.wait_indirect_dma semaphore(%arg8 : memref<!tpu.dma_semaphore, #tpu.memory_space<semaphore_mem>>) src(%dma_wait3A_230 : memref<100000x8x128xf32, #tpu.memory_space<hbm>>) dst(%arg6 : memref<32x8x128xf32, #tpu.memory_space<vmem>>)
    %dma_start3A_231 = arith.constant 0 : i32
    %dma_start3A_232 = arith.constant 0 : i32
    %dma_start3A_233 = tpu.memref_slice %arg4[%add3A_20, %dma_start3A_231, %dma_start3A_232] : memref<16384x8x128xf32, #tpu.memory_space<hbm>> -> memref<32x8x128xf32, #tpu.memory_space<hbm>>
    %dma_start3A_234 = arith.constant 0 : i32
    %dma_start3A_235 = arith.constant 0 : i32
    %dma_start3A_236 = tpu.memref_slice %arg4[%add3A_20, %dma_start3A_234, %dma_start3A_235] : memref<16384x8x128xf32, #tpu.memory_space<hbm>> -> memref<32x8x128xf32, #tpu.memory_space<hbm>>
    tpu.enqueue_dma source(%arg6 : memref<32x8x128xf32, #tpu.memory_space<vmem>>) target(%dma_start3A_236 : memref<32x8x128xf32, #tpu.memory_space<hbm>>) target_semaphore(%arg10 : memref<!tpu.dma_semaphore, #tpu.memory_space<semaphore_mem>>)
    %dma_wait3A_237 = arith.constant 0 : i32
    %dma_wait3A_238 = arith.constant 0 : i32
    %dma_wait3A_239 = tpu.memref_slice %arg4[%add3A_18, %dma_wait3A_237, %dma_wait3A_238] : memref<16384x8x128xf32, #tpu.memory_space<hbm>> -> memref<32x8x128xf32, #tpu.memory_space<hbm>>
    %dma_wait3A_240 = arith.constant 0 : i32
    %dma_wait3A_241 = arith.constant 0 : i32
    %dma_wait3A_242 = tpu.memref_slice %arg4[%add3A_18, %dma_wait3A_240, %dma_wait3A_241] : memref<16384x8x128xf32, #tpu.memory_space<hbm>> -> memref<32x8x128xf32, #tpu.memory_space<hbm>>
    tpu.wait_dma2 semaphore(%arg11 : memref<!tpu.dma_semaphore, #tpu.memory_space<semaphore_mem>>) src(%arg7 : memref<32x8x128xf32, #tpu.memory_space<vmem>>) dst(%dma_wait3A_242 : memref<32x8x128xf32, #tpu.memory_space<hbm>>)
    %dma_start3A_243 = arith.constant 288 : i32
    %dma_start3A_244 = tpu.memref_slice %arg5[%dma_start3A_243] : memref<512xi32, #tpu.memory_space<vmem>> -> memref<32xi32, #tpu.memory_space<vmem>>
    %dma_start3A_245 = arith.constant 0 : i32
    %dma_start3A_246 = arith.constant 0 : i32
    %dma_start3A_247 = arith.constant 0 : i32
    %dma_start3A_248 = tpu.memref_slice %arg2[%dma_start3A_245, %dma_start3A_246, %dma_start3A_247] : memref<100000x8x128xf32, #tpu.memory_space<hbm>> -> memref<100000x8x128xf32, #tpu.memory_space<hbm>>
    tpu.enqueue_indirect_dma source(%dma_start3A_248 : memref<100000x8x128xf32, #tpu.memory_space<hbm>>) target(%arg7 : memref<32x8x128xf32, #tpu.memory_space<vmem>>) offsets(%dma_start3A_244 : memref<32xi32, #tpu.memory_space<vmem>>) semaphore(%arg9 : memref<!tpu.dma_semaphore, #tpu.memory_space<semaphore_mem>>)
    %dma_wait3A_249 = arith.constant 288 : i32
    %dma_wait3A_250 = tpu.memref_slice %arg5[%dma_wait3A_249] : memref<512xi32, #tpu.memory_space<vmem>> -> memref<32xi32, #tpu.memory_space<vmem>>
    %dma_wait3A_251 = arith.constant 0 : i32
    %dma_wait3A_252 = arith.constant 0 : i32
    %dma_wait3A_253 = arith.constant 0 : i32
    %dma_wait3A_254 = tpu.memref_slice %arg2[%dma_wait3A_251, %dma_wait3A_252, %dma_wait3A_253] : memref<100000x8x128xf32, #tpu.memory_space<hbm>> -> memref<100000x8x128xf32, #tpu.memory_space<hbm>>
    tpu.wait_indirect_dma semaphore(%arg9 : memref<!tpu.dma_semaphore, #tpu.memory_space<semaphore_mem>>) src(%dma_wait3A_254 : memref<100000x8x128xf32, #tpu.memory_space<hbm>>) dst(%arg7 : memref<32x8x128xf32, #tpu.memory_space<vmem>>)
    %dma_start3A_255 = arith.constant 0 : i32
    %dma_start3A_256 = arith.constant 0 : i32
    %dma_start3A_257 = tpu.memref_slice %arg4[%add3A_22, %dma_start3A_255, %dma_start3A_256] : memref<16384x8x128xf32, #tpu.memory_space<hbm>> -> memref<32x8x128xf32, #tpu.memory_space<hbm>>
    %dma_start3A_258 = arith.constant 0 : i32
    %dma_start3A_259 = arith.constant 0 : i32
    %dma_start3A_260 = tpu.memref_slice %arg4[%add3A_22, %dma_start3A_258, %dma_start3A_259] : memref<16384x8x128xf32, #tpu.memory_space<hbm>> -> memref<32x8x128xf32, #tpu.memory_space<hbm>>
    tpu.enqueue_dma source(%arg7 : memref<32x8x128xf32, #tpu.memory_space<vmem>>) target(%dma_start3A_260 : memref<32x8x128xf32, #tpu.memory_space<hbm>>) target_semaphore(%arg11 : memref<!tpu.dma_semaphore, #tpu.memory_space<semaphore_mem>>)
    %dma_wait3A_261 = arith.constant 0 : i32
    %dma_wait3A_262 = arith.constant 0 : i32
    %dma_wait3A_263 = tpu.memref_slice %arg4[%add3A_20, %dma_wait3A_261, %dma_wait3A_262] : memref<16384x8x128xf32, #tpu.memory_space<hbm>> -> memref<32x8x128xf32, #tpu.memory_space<hbm>>
    %dma_wait3A_264 = arith.constant 0 : i32
    %dma_wait3A_265 = arith.constant 0 : i32
    %dma_wait3A_266 = tpu.memref_slice %arg4[%add3A_20, %dma_wait3A_264, %dma_wait3A_265] : memref<16384x8x128xf32, #tpu.memory_space<hbm>> -> memref<32x8x128xf32, #tpu.memory_space<hbm>>
    tpu.wait_dma2 semaphore(%arg10 : memref<!tpu.dma_semaphore, #tpu.memory_space<semaphore_mem>>) src(%arg6 : memref<32x8x128xf32, #tpu.memory_space<vmem>>) dst(%dma_wait3A_266 : memref<32x8x128xf32, #tpu.memory_space<hbm>>)
    %dma_start3A_267 = arith.constant 320 : i32
    %dma_start3A_268 = tpu.memref_slice %arg5[%dma_start3A_267] : memref<512xi32, #tpu.memory_space<vmem>> -> memref<32xi32, #tpu.memory_space<vmem>>
    %dma_start3A_269 = arith.constant 0 : i32
    %dma_start3A_270 = arith.constant 0 : i32
    %dma_start3A_271 = arith.constant 0 : i32
    %dma_start3A_272 = tpu.memref_slice %arg2[%dma_start3A_269, %dma_start3A_270, %dma_start3A_271] : memref<100000x8x128xf32, #tpu.memory_space<hbm>> -> memref<100000x8x128xf32, #tpu.memory_space<hbm>>
    tpu.enqueue_indirect_dma source(%dma_start3A_272 : memref<100000x8x128xf32, #tpu.memory_space<hbm>>) target(%arg6 : memref<32x8x128xf32, #tpu.memory_space<vmem>>) offsets(%dma_start3A_268 : memref<32xi32, #tpu.memory_space<vmem>>) semaphore(%arg8 : memref<!tpu.dma_semaphore, #tpu.memory_space<semaphore_mem>>)
    %dma_wait3A_273 = arith.constant 320 : i32
    %dma_wait3A_274 = tpu.memref_slice %arg5[%dma_wait3A_273] : memref<512xi32, #tpu.memory_space<vmem>> -> memref<32xi32, #tpu.memory_space<vmem>>
    %dma_wait3A_275 = arith.constant 0 : i32
    %dma_wait3A_276 = arith.constant 0 : i32
    %dma_wait3A_277 = arith.constant 0 : i32
    %dma_wait3A_278 = tpu.memref_slice %arg2[%dma_wait3A_275, %dma_wait3A_276, %dma_wait3A_277] : memref<100000x8x128xf32, #tpu.memory_space<hbm>> -> memref<100000x8x128xf32, #tpu.memory_space<hbm>>
    tpu.wait_indirect_dma semaphore(%arg8 : memref<!tpu.dma_semaphore, #tpu.memory_space<semaphore_mem>>) src(%dma_wait3A_278 : memref<100000x8x128xf32, #tpu.memory_space<hbm>>) dst(%arg6 : memref<32x8x128xf32, #tpu.memory_space<vmem>>)
    %dma_start3A_279 = arith.constant 0 : i32
    %dma_start3A_280 = arith.constant 0 : i32
    %dma_start3A_281 = tpu.memref_slice %arg4[%add3A_24, %dma_start3A_279, %dma_start3A_280] : memref<16384x8x128xf32, #tpu.memory_space<hbm>> -> memref<32x8x128xf32, #tpu.memory_space<hbm>>
    %dma_start3A_282 = arith.constant 0 : i32
    %dma_start3A_283 = arith.constant 0 : i32
    %dma_start3A_284 = tpu.memref_slice %arg4[%add3A_24, %dma_start3A_282, %dma_start3A_283] : memref<16384x8x128xf32, #tpu.memory_space<hbm>> -> memref<32x8x128xf32, #tpu.memory_space<hbm>>
    tpu.enqueue_dma source(%arg6 : memref<32x8x128xf32, #tpu.memory_space<vmem>>) target(%dma_start3A_284 : memref<32x8x128xf32, #tpu.memory_space<hbm>>) target_semaphore(%arg10 : memref<!tpu.dma_semaphore, #tpu.memory_space<semaphore_mem>>)
    %dma_wait3A_285 = arith.constant 0 : i32
    %dma_wait3A_286 = arith.constant 0 : i32
    %dma_wait3A_287 = tpu.memref_slice %arg4[%add3A_22, %dma_wait3A_285, %dma_wait3A_286] : memref<16384x8x128xf32, #tpu.memory_space<hbm>> -> memref<32x8x128xf32, #tpu.memory_space<hbm>>
    %dma_wait3A_288 = arith.constant 0 : i32
    %dma_wait3A_289 = arith.constant 0 : i32
    %dma_wait3A_290 = tpu.memref_slice %arg4[%add3A_22, %dma_wait3A_288, %dma_wait3A_289] : memref<16384x8x128xf32, #tpu.memory_space<hbm>> -> memref<32x8x128xf32, #tpu.memory_space<hbm>>
    tpu.wait_dma2 semaphore(%arg11 : memref<!tpu.dma_semaphore, #tpu.memory_space<semaphore_mem>>) src(%arg7 : memref<32x8x128xf32, #tpu.memory_space<vmem>>) dst(%dma_wait3A_290 : memref<32x8x128xf32, #tpu.memory_space<hbm>>)
    %dma_start3A_291 = arith.constant 352 : i32
    %dma_start3A_292 = tpu.memref_slice %arg5[%dma_start3A_291] : memref<512xi32, #tpu.memory_space<vmem>> -> memref<32xi32, #tpu.memory_space<vmem>>
    %dma_start3A_293 = arith.constant 0 : i32
    %dma_start3A_294 = arith.constant 0 : i32
    %dma_start3A_295 = arith.constant 0 : i32
    %dma_start3A_296 = tpu.memref_slice %arg2[%dma_start3A_293, %dma_start3A_294, %dma_start3A_295] : memref<100000x8x128xf32, #tpu.memory_space<hbm>> -> memref<100000x8x128xf32, #tpu.memory_space<hbm>>
    tpu.enqueue_indirect_dma source(%dma_start3A_296 : memref<100000x8x128xf32, #tpu.memory_space<hbm>>) target(%arg7 : memref<32x8x128xf32, #tpu.memory_space<vmem>>) offsets(%dma_start3A_292 : memref<32xi32, #tpu.memory_space<vmem>>) semaphore(%arg9 : memref<!tpu.dma_semaphore, #tpu.memory_space<semaphore_mem>>)
    %dma_wait3A_297 = arith.constant 352 : i32
    %dma_wait3A_298 = tpu.memref_slice %arg5[%dma_wait3A_297] : memref<512xi32, #tpu.memory_space<vmem>> -> memref<32xi32, #tpu.memory_space<vmem>>
    %dma_wait3A_299 = arith.constant 0 : i32
    %dma_wait3A_300 = arith.constant 0 : i32
    %dma_wait3A_301 = arith.constant 0 : i32
    %dma_wait3A_302 = tpu.memref_slice %arg2[%dma_wait3A_299, %dma_wait3A_300, %dma_wait3A_301] : memref<100000x8x128xf32, #tpu.memory_space<hbm>> -> memref<100000x8x128xf32, #tpu.memory_space<hbm>>
    tpu.wait_indirect_dma semaphore(%arg9 : memref<!tpu.dma_semaphore, #tpu.memory_space<semaphore_mem>>) src(%dma_wait3A_302 : memref<100000x8x128xf32, #tpu.memory_space<hbm>>) dst(%arg7 : memref<32x8x128xf32, #tpu.memory_space<vmem>>)
    %dma_start3A_303 = arith.constant 0 : i32
    %dma_start3A_304 = arith.constant 0 : i32
    %dma_start3A_305 = tpu.memref_slice %arg4[%add3A_26, %dma_start3A_303, %dma_start3A_304] : memref<16384x8x128xf32, #tpu.memory_space<hbm>> -> memref<32x8x128xf32, #tpu.memory_space<hbm>>
    %dma_start3A_306 = arith.constant 0 : i32
    %dma_start3A_307 = arith.constant 0 : i32
    %dma_start3A_308 = tpu.memref_slice %arg4[%add3A_26, %dma_start3A_306, %dma_start3A_307] : memref<16384x8x128xf32, #tpu.memory_space<hbm>> -> memref<32x8x128xf32, #tpu.memory_space<hbm>>
    tpu.enqueue_dma source(%arg7 : memref<32x8x128xf32, #tpu.memory_space<vmem>>) target(%dma_start3A_308 : memref<32x8x128xf32, #tpu.memory_space<hbm>>) target_semaphore(%arg11 : memref<!tpu.dma_semaphore, #tpu.memory_space<semaphore_mem>>)
    %dma_wait3A_309 = arith.constant 0 : i32
    %dma_wait3A_310 = arith.constant 0 : i32
    %dma_wait3A_311 = tpu.memref_slice %arg4[%add3A_24, %dma_wait3A_309, %dma_wait3A_310] : memref<16384x8x128xf32, #tpu.memory_space<hbm>> -> memref<32x8x128xf32, #tpu.memory_space<hbm>>
    %dma_wait3A_312 = arith.constant 0 : i32
    %dma_wait3A_313 = arith.constant 0 : i32
    %dma_wait3A_314 = tpu.memref_slice %arg4[%add3A_24, %dma_wait3A_312, %dma_wait3A_313] : memref<16384x8x128xf32, #tpu.memory_space<hbm>> -> memref<32x8x128xf32, #tpu.memory_space<hbm>>
    tpu.wait_dma2 semaphore(%arg10 : memref<!tpu.dma_semaphore, #tpu.memory_space<semaphore_mem>>) src(%arg6 : memref<32x8x128xf32, #tpu.memory_space<vmem>>) dst(%dma_wait3A_314 : memref<32x8x128xf32, #tpu.memory_space<hbm>>)
    %dma_start3A_315 = arith.constant 384 : i32
    %dma_start3A_316 = tpu.memref_slice %arg5[%dma_start3A_315] : memref<512xi32, #tpu.memory_space<vmem>> -> memref<32xi32, #tpu.memory_space<vmem>>
    %dma_start3A_317 = arith.constant 0 : i32
    %dma_start3A_318 = arith.constant 0 : i32
    %dma_start3A_319 = arith.constant 0 : i32
    %dma_start3A_320 = tpu.memref_slice %arg2[%dma_start3A_317, %dma_start3A_318, %dma_start3A_319] : memref<100000x8x128xf32, #tpu.memory_space<hbm>> -> memref<100000x8x128xf32, #tpu.memory_space<hbm>>
    tpu.enqueue_indirect_dma source(%dma_start3A_320 : memref<100000x8x128xf32, #tpu.memory_space<hbm>>) target(%arg6 : memref<32x8x128xf32, #tpu.memory_space<vmem>>) offsets(%dma_start3A_316 : memref<32xi32, #tpu.memory_space<vmem>>) semaphore(%arg8 : memref<!tpu.dma_semaphore, #tpu.memory_space<semaphore_mem>>)
    %dma_wait3A_321 = arith.constant 384 : i32
    %dma_wait3A_322 = tpu.memref_slice %arg5[%dma_wait3A_321] : memref<512xi32, #tpu.memory_space<vmem>> -> memref<32xi32, #tpu.memory_space<vmem>>
    %dma_wait3A_323 = arith.constant 0 : i32
    %dma_wait3A_324 = arith.constant 0 : i32
    %dma_wait3A_325 = arith.constant 0 : i32
    %dma_wait3A_326 = tpu.memref_slice %arg2[%dma_wait3A_323, %dma_wait3A_324, %dma_wait3A_325] : memref<100000x8x128xf32, #tpu.memory_space<hbm>> -> memref<100000x8x128xf32, #tpu.memory_space<hbm>>
    tpu.wait_indirect_dma semaphore(%arg8 : memref<!tpu.dma_semaphore, #tpu.memory_space<semaphore_mem>>) src(%dma_wait3A_326 : memref<100000x8x128xf32, #tpu.memory_space<hbm>>) dst(%arg6 : memref<32x8x128xf32, #tpu.memory_space<vmem>>)
    %dma_start3A_327 = arith.constant 0 : i32
    %dma_start3A_328 = arith.constant 0 : i32
    %dma_start3A_329 = tpu.memref_slice %arg4[%add3A_28, %dma_start3A_327, %dma_start3A_328] : memref<16384x8x128xf32, #tpu.memory_space<hbm>> -> memref<32x8x128xf32, #tpu.memory_space<hbm>>
    %dma_start3A_330 = arith.constant 0 : i32
    %dma_start3A_331 = arith.constant 0 : i32
    %dma_start3A_332 = tpu.memref_slice %arg4[%add3A_28, %dma_start3A_330, %dma_start3A_331] : memref<16384x8x128xf32, #tpu.memory_space<hbm>> -> memref<32x8x128xf32, #tpu.memory_space<hbm>>
    tpu.enqueue_dma source(%arg6 : memref<32x8x128xf32, #tpu.memory_space<vmem>>) target(%dma_start3A_332 : memref<32x8x128xf32, #tpu.memory_space<hbm>>) target_semaphore(%arg10 : memref<!tpu.dma_semaphore, #tpu.memory_space<semaphore_mem>>)
    %dma_wait3A_333 = arith.constant 0 : i32
    %dma_wait3A_334 = arith.constant 0 : i32
    %dma_wait3A_335 = tpu.memref_slice %arg4[%add3A_26, %dma_wait3A_333, %dma_wait3A_334] : memref<16384x8x128xf32, #tpu.memory_space<hbm>> -> memref<32x8x128xf32, #tpu.memory_space<hbm>>
    %dma_wait3A_336 = arith.constant 0 : i32
    %dma_wait3A_337 = arith.constant 0 : i32
    %dma_wait3A_338 = tpu.memref_slice %arg4[%add3A_26, %dma_wait3A_336, %dma_wait3A_337] : memref<16384x8x128xf32, #tpu.memory_space<hbm>> -> memref<32x8x128xf32, #tpu.memory_space<hbm>>
    tpu.wait_dma2 semaphore(%arg11 : memref<!tpu.dma_semaphore, #tpu.memory_space<semaphore_mem>>) src(%arg7 : memref<32x8x128xf32, #tpu.memory_space<vmem>>) dst(%dma_wait3A_338 : memref<32x8x128xf32, #tpu.memory_space<hbm>>)
    %dma_start3A_339 = arith.constant 416 : i32
    %dma_start3A_340 = tpu.memref_slice %arg5[%dma_start3A_339] : memref<512xi32, #tpu.memory_space<vmem>> -> memref<32xi32, #tpu.memory_space<vmem>>
    %dma_start3A_341 = arith.constant 0 : i32
    %dma_start3A_342 = arith.constant 0 : i32
    %dma_start3A_343 = arith.constant 0 : i32
    %dma_start3A_344 = tpu.memref_slice %arg2[%dma_start3A_341, %dma_start3A_342, %dma_start3A_343] : memref<100000x8x128xf32, #tpu.memory_space<hbm>> -> memref<100000x8x128xf32, #tpu.memory_space<hbm>>
    tpu.enqueue_indirect_dma source(%dma_start3A_344 : memref<100000x8x128xf32, #tpu.memory_space<hbm>>) target(%arg7 : memref<32x8x128xf32, #tpu.memory_space<vmem>>) offsets(%dma_start3A_340 : memref<32xi32, #tpu.memory_space<vmem>>) semaphore(%arg9 : memref<!tpu.dma_semaphore, #tpu.memory_space<semaphore_mem>>)
    %dma_wait3A_345 = arith.constant 416 : i32
    %dma_wait3A_346 = tpu.memref_slice %arg5[%dma_wait3A_345] : memref<512xi32, #tpu.memory_space<vmem>> -> memref<32xi32, #tpu.memory_space<vmem>>
    %dma_wait3A_347 = arith.constant 0 : i32
    %dma_wait3A_348 = arith.constant 0 : i32
    %dma_wait3A_349 = arith.constant 0 : i32
    %dma_wait3A_350 = tpu.memref_slice %arg2[%dma_wait3A_347, %dma_wait3A_348, %dma_wait3A_349] : memref<100000x8x128xf32, #tpu.memory_space<hbm>> -> memref<100000x8x128xf32, #tpu.memory_space<hbm>>
    tpu.wait_indirect_dma semaphore(%arg9 : memref<!tpu.dma_semaphore, #tpu.memory_space<semaphore_mem>>) src(%dma_wait3A_350 : memref<100000x8x128xf32, #tpu.memory_space<hbm>>) dst(%arg7 : memref<32x8x128xf32, #tpu.memory_space<vmem>>)
    %dma_start3A_351 = arith.constant 0 : i32
    %dma_start3A_352 = arith.constant 0 : i32
    %dma_start3A_353 = tpu.memref_slice %arg4[%add3A_30, %dma_start3A_351, %dma_start3A_352] : memref<16384x8x128xf32, #tpu.memory_space<hbm>> -> memref<32x8x128xf32, #tpu.memory_space<hbm>>
    %dma_start3A_354 = arith.constant 0 : i32
    %dma_start3A_355 = arith.constant 0 : i32
    %dma_start3A_356 = tpu.memref_slice %arg4[%add3A_30, %dma_start3A_354, %dma_start3A_355] : memref<16384x8x128xf32, #tpu.memory_space<hbm>> -> memref<32x8x128xf32, #tpu.memory_space<hbm>>
    tpu.enqueue_dma source(%arg7 : memref<32x8x128xf32, #tpu.memory_space<vmem>>) target(%dma_start3A_356 : memref<32x8x128xf32, #tpu.memory_space<hbm>>) target_semaphore(%arg11 : memref<!tpu.dma_semaphore, #tpu.memory_space<semaphore_mem>>)
    %dma_wait3A_357 = arith.constant 0 : i32
    %dma_wait3A_358 = arith.constant 0 : i32
    %dma_wait3A_359 = tpu.memref_slice %arg4[%add3A_28, %dma_wait3A_357, %dma_wait3A_358] : memref<16384x8x128xf32, #tpu.memory_space<hbm>> -> memref<32x8x128xf32, #tpu.memory_space<hbm>>
    %dma_wait3A_360 = arith.constant 0 : i32
    %dma_wait3A_361 = arith.constant 0 : i32
    %dma_wait3A_362 = tpu.memref_slice %arg4[%add3A_28, %dma_wait3A_360, %dma_wait3A_361] : memref<16384x8x128xf32, #tpu.memory_space<hbm>> -> memref<32x8x128xf32, #tpu.memory_space<hbm>>
    tpu.wait_dma2 semaphore(%arg10 : memref<!tpu.dma_semaphore, #tpu.memory_space<semaphore_mem>>) src(%arg6 : memref<32x8x128xf32, #tpu.memory_space<vmem>>) dst(%dma_wait3A_362 : memref<32x8x128xf32, #tpu.memory_space<hbm>>)
    %dma_start3A_363 = arith.constant 448 : i32
    %dma_start3A_364 = tpu.memref_slice %arg5[%dma_start3A_363] : memref<512xi32, #tpu.memory_space<vmem>> -> memref<32xi32, #tpu.memory_space<vmem>>
    %dma_start3A_365 = arith.constant 0 : i32
    %dma_start3A_366 = arith.constant 0 : i32
    %dma_start3A_367 = arith.constant 0 : i32
    %dma_start3A_368 = tpu.memref_slice %arg2[%dma_start3A_365, %dma_start3A_366, %dma_start3A_367] : memref<100000x8x128xf32, #tpu.memory_space<hbm>> -> memref<100000x8x128xf32, #tpu.memory_space<hbm>>
    tpu.enqueue_indirect_dma source(%dma_start3A_368 : memref<100000x8x128xf32, #tpu.memory_space<hbm>>) target(%arg6 : memref<32x8x128xf32, #tpu.memory_space<vmem>>) offsets(%dma_start3A_364 : memref<32xi32, #tpu.memory_space<vmem>>) semaphore(%arg8 : memref<!tpu.dma_semaphore, #tpu.memory_space<semaphore_mem>>)
    %dma_wait3A_369 = arith.constant 448 : i32
    %dma_wait3A_370 = tpu.memref_slice %arg5[%dma_wait3A_369] : memref<512xi32, #tpu.memory_space<vmem>> -> memref<32xi32, #tpu.memory_space<vmem>>
    %dma_wait3A_371 = arith.constant 0 : i32
    %dma_wait3A_372 = arith.constant 0 : i32
    %dma_wait3A_373 = arith.constant 0 : i32
    %dma_wait3A_374 = tpu.memref_slice %arg2[%dma_wait3A_371, %dma_wait3A_372, %dma_wait3A_373] : memref<100000x8x128xf32, #tpu.memory_space<hbm>> -> memref<100000x8x128xf32, #tpu.memory_space<hbm>>
    tpu.wait_indirect_dma semaphore(%arg8 : memref<!tpu.dma_semaphore, #tpu.memory_space<semaphore_mem>>) src(%dma_wait3A_374 : memref<100000x8x128xf32, #tpu.memory_space<hbm>>) dst(%arg6 : memref<32x8x128xf32, #tpu.memory_space<vmem>>)
    %dma_start3A_375 = arith.constant 0 : i32
    %dma_start3A_376 = arith.constant 0 : i32
    %dma_start3A_377 = tpu.memref_slice %arg4[%add3A_32, %dma_start3A_375, %dma_start3A_376] : memref<16384x8x128xf32, #tpu.memory_space<hbm>> -> memref<32x8x128xf32, #tpu.memory_space<hbm>>
    %dma_start3A_378 = arith.constant 0 : i32
    %dma_start3A_379 = arith.constant 0 : i32
    %dma_start3A_380 = tpu.memref_slice %arg4[%add3A_32, %dma_start3A_378, %dma_start3A_379] : memref<16384x8x128xf32, #tpu.memory_space<hbm>> -> memref<32x8x128xf32, #tpu.memory_space<hbm>>
    tpu.enqueue_dma source(%arg6 : memref<32x8x128xf32, #tpu.memory_space<vmem>>) target(%dma_start3A_380 : memref<32x8x128xf32, #tpu.memory_space<hbm>>) target_semaphore(%arg10 : memref<!tpu.dma_semaphore, #tpu.memory_space<semaphore_mem>>)
    %dma_wait3A_381 = arith.constant 0 : i32
    %dma_wait3A_382 = arith.constant 0 : i32
    %dma_wait3A_383 = tpu.memref_slice %arg4[%add3A_30, %dma_wait3A_381, %dma_wait3A_382] : memref<16384x8x128xf32, #tpu.memory_space<hbm>> -> memref<32x8x128xf32, #tpu.memory_space<hbm>>
    %dma_wait3A_384 = arith.constant 0 : i32
    %dma_wait3A_385 = arith.constant 0 : i32
    %dma_wait3A_386 = tpu.memref_slice %arg4[%add3A_30, %dma_wait3A_384, %dma_wait3A_385] : memref<16384x8x128xf32, #tpu.memory_space<hbm>> -> memref<32x8x128xf32, #tpu.memory_space<hbm>>
    tpu.wait_dma2 semaphore(%arg11 : memref<!tpu.dma_semaphore, #tpu.memory_space<semaphore_mem>>) src(%arg7 : memref<32x8x128xf32, #tpu.memory_space<vmem>>) dst(%dma_wait3A_386 : memref<32x8x128xf32, #tpu.memory_space<hbm>>)
    %dma_start3A_387 = arith.constant 480 : i32
    %dma_start3A_388 = tpu.memref_slice %arg5[%dma_start3A_387] : memref<512xi32, #tpu.memory_space<vmem>> -> memref<32xi32, #tpu.memory_space<vmem>>
    %dma_start3A_389 = arith.constant 0 : i32
    %dma_start3A_390 = arith.constant 0 : i32
    %dma_start3A_391 = arith.constant 0 : i32
    %dma_start3A_392 = tpu.memref_slice %arg2[%dma_start3A_389, %dma_start3A_390, %dma_start3A_391] : memref<100000x8x128xf32, #tpu.memory_space<hbm>> -> memref<100000x8x128xf32, #tpu.memory_space<hbm>>
    tpu.enqueue_indirect_dma source(%dma_start3A_392 : memref<100000x8x128xf32, #tpu.memory_space<hbm>>) target(%arg7 : memref<32x8x128xf32, #tpu.memory_space<vmem>>) offsets(%dma_start3A_388 : memref<32xi32, #tpu.memory_space<vmem>>) semaphore(%arg9 : memref<!tpu.dma_semaphore, #tpu.memory_space<semaphore_mem>>)
    %dma_wait3A_393 = arith.constant 480 : i32
    %dma_wait3A_394 = tpu.memref_slice %arg5[%dma_wait3A_393] : memref<512xi32, #tpu.memory_space<vmem>> -> memref<32xi32, #tpu.memory_space<vmem>>
    %dma_wait3A_395 = arith.constant 0 : i32
    %dma_wait3A_396 = arith.constant 0 : i32
    %dma_wait3A_397 = arith.constant 0 : i32
    %dma_wait3A_398 = tpu.memref_slice %arg2[%dma_wait3A_395, %dma_wait3A_396, %dma_wait3A_397] : memref<100000x8x128xf32, #tpu.memory_space<hbm>> -> memref<100000x8x128xf32, #tpu.memory_space<hbm>>
    tpu.wait_indirect_dma semaphore(%arg9 : memref<!tpu.dma_semaphore, #tpu.memory_space<semaphore_mem>>) src(%dma_wait3A_398 : memref<100000x8x128xf32, #tpu.memory_space<hbm>>) dst(%arg7 : memref<32x8x128xf32, #tpu.memory_space<vmem>>)
    %dma_start3A_399 = arith.constant 0 : i32
    %dma_start3A_400 = arith.constant 0 : i32
    %dma_start3A_401 = tpu.memref_slice %arg4[%add3A_34, %dma_start3A_399, %dma_start3A_400] : memref<16384x8x128xf32, #tpu.memory_space<hbm>> -> memref<32x8x128xf32, #tpu.memory_space<hbm>>
    %dma_start3A_402 = arith.constant 0 : i32
    %dma_start3A_403 = arith.constant 0 : i32
    %dma_start3A_404 = tpu.memref_slice %arg4[%add3A_34, %dma_start3A_402, %dma_start3A_403] : memref<16384x8x128xf32, #tpu.memory_space<hbm>> -> memref<32x8x128xf32, #tpu.memory_space<hbm>>
    tpu.enqueue_dma source(%arg7 : memref<32x8x128xf32, #tpu.memory_space<vmem>>) target(%dma_start3A_404 : memref<32x8x128xf32, #tpu.memory_space<hbm>>) target_semaphore(%arg11 : memref<!tpu.dma_semaphore, #tpu.memory_space<semaphore_mem>>)
    %dma_wait3A_405 = arith.constant 0 : i32
    %dma_wait3A_406 = arith.constant 0 : i32
    %dma_wait3A_407 = tpu.memref_slice %arg4[%add3A_32, %dma_wait3A_405, %dma_wait3A_406] : memref<16384x8x128xf32, #tpu.memory_space<hbm>> -> memref<32x8x128xf32, #tpu.memory_space<hbm>>
    %dma_wait3A_408 = arith.constant 0 : i32
    %dma_wait3A_409 = arith.constant 0 : i32
    %dma_wait3A_410 = tpu.memref_slice %arg4[%add3A_32, %dma_wait3A_408, %dma_wait3A_409] : memref<16384x8x128xf32, #tpu.memory_space<hbm>> -> memref<32x8x128xf32, #tpu.memory_space<hbm>>
    tpu.wait_dma2 semaphore(%arg10 : memref<!tpu.dma_semaphore, #tpu.memory_space<semaphore_mem>>) src(%arg6 : memref<32x8x128xf32, #tpu.memory_space<vmem>>) dst(%dma_wait3A_410 : memref<32x8x128xf32, #tpu.memory_space<hbm>>)
    %dma_wait3A_411 = arith.constant 0 : i32
    %dma_wait3A_412 = arith.constant 0 : i32
    %dma_wait3A_413 = tpu.memref_slice %arg4[%add3A_34, %dma_wait3A_411, %dma_wait3A_412] : memref<16384x8x128xf32, #tpu.memory_space<hbm>> -> memref<32x8x128xf32, #tpu.memory_space<hbm>>
    %dma_wait3A_414 = arith.constant 0 : i32
    %dma_wait3A_415 = arith.constant 0 : i32
    %dma_wait3A_416 = tpu.memref_slice %arg4[%add3A_34, %dma_wait3A_414, %dma_wait3A_415] : memref<16384x8x128xf32, #tpu.memory_space<hbm>> -> memref<32x8x128xf32, #tpu.memory_space<hbm>>
    tpu.wait_dma2 semaphore(%arg11 : memref<!tpu.dma_semaphore, #tpu.memory_space<semaphore_mem>>) src(%arg7 : memref<32x8x128xf32, #tpu.memory_space<vmem>>) dst(%dma_wait3A_416 : memref<32x8x128xf32, #tpu.memory_space<hbm>>)
    return
  }
}

module attributes {stable_mosaic.version = 14 : i64} {
  func.func @_compute_body(%arg0: i32, %arg1: memref<1024x1024xf32, #tpu.memory_space<vmem>>, %arg2: memref<1024x1024xf32, #tpu.memory_space<vmem>>, %arg3: memref<1024x8x128xf32, #tpu.memory_space<vmem>>, %arg4: memref<3x1024xf32, #tpu.memory_space<vmem>>, %arg5: memref<3x1024xf32, #tpu.memory_space<vmem>>, %arg6: memref<1024x3xf32, #tpu.memory_space<vmem>>) attributes {dimension_semantics = [#tpu.dimension_semantics<arbitrary>], iteration_bounds = array<i64: 16>, scalar_prefetch = 0 : i64, scratch_operands = 0 : i64, tpu.core_type = #tpu.core_type<tc>, window_params = [{transform_indices = @transform_0, window_bounds = array<i64: 1024, 1024>}, {transform_indices = @transform_1, window_bounds = array<i64: 1024, 1024>}, {transform_indices = @transform_2, window_bounds = array<i64: 1024, 8, 128>}, {pipeline_mode = #tpu.pipeline_mode<synchronous>, transform_indices = @transform_3, window_bounds = array<i64: 3, 1024>}, {pipeline_mode = #tpu.pipeline_mode<synchronous>, transform_indices = @transform_4, window_bounds = array<i64: 3, 1024>}, {transform_indices = @transform_5, window_bounds = array<i64: 1024, 3>}]} {
    %get3A = arith.constant 0 : index
    %get3A_0 = arith.constant 0 : index
    %get3A_1 = vector.load %arg4[%get3A, %get3A_0] : memref<3x1024xf32, #tpu.memory_space<vmem>>, vector<3x1024xf32>
    %get3A_2 = arith.constant 0 : index
    %get3A_3 = arith.constant 0 : index
    %get3A_4 = arith.constant 0 : index
    %get3A_5 = vector.load %arg3[%get3A_2, %get3A_3, %get3A_4] : memref<1024x8x128xf32, #tpu.memory_space<vmem>>, vector<1024x8x128xf32>
    %reshape3A = vector.shape_cast %get3A_5 : vector<1024x8x128xf32> to vector<1024x1024xf32>
    %get3A_6 = arith.constant 0 : index
    %get3A_7 = arith.constant 0 : index
    %get3A_8 = vector.load %arg1[%get3A_6, %get3A_7] : memref<1024x1024xf32, #tpu.memory_space<vmem>>, vector<1024x1024xf32>
    %slice3A = vector.extract_strided_slice %get3A_1 {offsets = [0, 0], sizes = [1, 1024], strides = [1, 1]} : vector<3x1024xf32> to vector<1x1024xf32>
    %mul3A = vector.broadcast %slice3A : vector<1x1024xf32> to vector<1024x1024xf32>
    %mul3A_9 = arith.mulf %get3A_8, %mul3A : vector<1024x1024xf32>
    %get3A_10 = arith.constant 0 : index
    %get3A_11 = arith.constant 0 : index
    %get3A_12 = vector.load %arg2[%get3A_10, %get3A_11] : memref<1024x1024xf32, #tpu.memory_space<vmem>>, vector<1024x1024xf32>
    %slice3A_13 = vector.extract_strided_slice %get3A_1 {offsets = [1, 0], sizes = [1, 1024], strides = [1, 1]} : vector<3x1024xf32> to vector<1x1024xf32>
    %mul3A_14 = vector.broadcast %slice3A_13 : vector<1x1024xf32> to vector<1024x1024xf32>
    %mul3A_15 = arith.mulf %get3A_12, %mul3A_14 : vector<1024x1024xf32>
    %add3A = arith.addf %mul3A_9, %mul3A_15 : vector<1024x1024xf32>
    %slice3A_16 = vector.extract_strided_slice %get3A_1 {offsets = [2, 0], sizes = [1, 1024], strides = [1, 1]} : vector<3x1024xf32> to vector<1x1024xf32>
    %mul3A_17 = vector.broadcast %slice3A_16 : vector<1x1024xf32> to vector<1024x1024xf32>
    %mul3A_18 = arith.mulf %reshape3A, %mul3A_17 : vector<1024x1024xf32>
    %add3A_19 = arith.addf %add3A, %mul3A_18 : vector<1024x1024xf32>
    %tanh3A = math.tanh %add3A_19 : vector<1024x1024xf32>
    %mul3A_20 = arith.mulf %tanh3A, %tanh3A : vector<1024x1024xf32>
    %reduce_sum3A = arith.constant dense<0.000000e+00> : vector<1024xf32>
    %reduce_sum3A_21 = vector.multi_reduction <add>, %mul3A_20, %reduce_sum3A [1] : vector<1024x1024xf32> to vector<1024xf32>
    %broadcast_in_dim3A = vector.shape_cast %reduce_sum3A_21 : vector<1024xf32> to vector<1024x1xf32>
    %sqrt3A = math.sqrt %broadcast_in_dim3A : vector<1024x1xf32>
    %add3A_22 = arith.constant 9.99999996E-13 : f32
    %add3A_23 = vector.broadcast %add3A_22 : f32 to vector<1024x1xf32>
    %add3A_24 = arith.addf %sqrt3A, %add3A_23 : vector<1024x1xf32>
    %div3A = arith.constant 1.000000e+00 : f32
    %div3A_25 = vector.broadcast %div3A : f32 to vector<1024x1xf32>
    %div3A_26 = arith.divf %div3A_25, %add3A_24 : vector<1024x1xf32>
    %get3A_27 = arith.constant 0 : index
    %get3A_28 = arith.constant 0 : index
    %get3A_29 = vector.load %arg5[%get3A_27, %get3A_28] : memref<3x1024xf32, #tpu.memory_space<vmem>>, vector<3x1024xf32>
    %mul3A_30 = arith.mulf %get3A_29, %get3A_29 : vector<3x1024xf32>
    %reduce_sum3A_31 = arith.constant dense<0.000000e+00> : vector<3xf32>
    %reduce_sum3A_32 = vector.multi_reduction <add>, %mul3A_30, %reduce_sum3A_31 [1] : vector<3x1024xf32> to vector<3xf32>
    %broadcast_in_dim3A_33 = vector.shape_cast %reduce_sum3A_32 : vector<3xf32> to vector<3x1xf32>
    %sqrt3A_34 = math.sqrt %broadcast_in_dim3A_33 : vector<3x1xf32>
    %add3A_35 = arith.constant 9.99999996E-13 : f32
    %add3A_36 = vector.broadcast %add3A_35 : f32 to vector<3x1xf32>
    %add3A_37 = arith.addf %sqrt3A_34, %add3A_36 : vector<3x1xf32>
    %div3A_38 = arith.constant 1.000000e+00 : f32
    %div3A_39 = vector.broadcast %div3A_38 : f32 to vector<3x1xf32>
    %div3A_40 = arith.divf %div3A_39, %add3A_37 : vector<3x1xf32>
    %slice3A_41 = vector.extract_strided_slice %get3A_29 {offsets = [0, 0], sizes = [1, 1024], strides = [1, 1]} : vector<3x1024xf32> to vector<1x1024xf32>
    %mul3A_42 = vector.broadcast %slice3A_41 : vector<1x1024xf32> to vector<1024x1024xf32>
    %mul3A_43 = arith.mulf %tanh3A, %mul3A_42 : vector<1024x1024xf32>
    %reduce_sum3A_44 = arith.constant dense<0.000000e+00> : vector<1024xf32>
    %reduce_sum3A_45 = vector.multi_reduction <add>, %mul3A_43, %reduce_sum3A_44 [1] : vector<1024x1024xf32> to vector<1024xf32>
    %broadcast_in_dim3A_46 = vector.shape_cast %reduce_sum3A_45 : vector<1024xf32> to vector<1024x1xf32>
    %slice3A_47 = vector.extract_strided_slice %div3A_40 {offsets = [0, 0], sizes = [1, 1], strides = [1, 1]} : vector<3x1xf32> to vector<1x1xf32>
    %squeeze3A = vector.extract %slice3A_47[0, 0] : f32 from vector<1x1xf32>
    %mul3A_48 = vector.broadcast %squeeze3A : f32 to vector<1024x1xf32>
    %mul3A_49 = arith.mulf %broadcast_in_dim3A_46, %mul3A_48 : vector<1024x1xf32>
    %slice3A_50 = vector.extract_strided_slice %get3A_29 {offsets = [1, 0], sizes = [1, 1024], strides = [1, 1]} : vector<3x1024xf32> to vector<1x1024xf32>
    %mul3A_51 = vector.broadcast %slice3A_50 : vector<1x1024xf32> to vector<1024x1024xf32>
    %mul3A_52 = arith.mulf %tanh3A, %mul3A_51 : vector<1024x1024xf32>
    %reduce_sum3A_53 = arith.constant dense<0.000000e+00> : vector<1024xf32>
    %reduce_sum3A_54 = vector.multi_reduction <add>, %mul3A_52, %reduce_sum3A_53 [1] : vector<1024x1024xf32> to vector<1024xf32>
    %broadcast_in_dim3A_55 = vector.shape_cast %reduce_sum3A_54 : vector<1024xf32> to vector<1024x1xf32>
    %slice3A_56 = vector.extract_strided_slice %div3A_40 {offsets = [1, 0], sizes = [1, 1], strides = [1, 1]} : vector<3x1xf32> to vector<1x1xf32>
    %squeeze3A_57 = vector.extract %slice3A_56[0, 0] : f32 from vector<1x1xf32>
    %mul3A_58 = vector.broadcast %squeeze3A_57 : f32 to vector<1024x1xf32>
    %mul3A_59 = arith.mulf %broadcast_in_dim3A_55, %mul3A_58 : vector<1024x1xf32>
    %slice3A_60 = vector.extract_strided_slice %get3A_29 {offsets = [2, 0], sizes = [1, 1024], strides = [1, 1]} : vector<3x1024xf32> to vector<1x1024xf32>
    %mul3A_61 = vector.broadcast %slice3A_60 : vector<1x1024xf32> to vector<1024x1024xf32>
    %mul3A_62 = arith.mulf %tanh3A, %mul3A_61 : vector<1024x1024xf32>
    %reduce_sum3A_63 = arith.constant dense<0.000000e+00> : vector<1024xf32>
    %reduce_sum3A_64 = vector.multi_reduction <add>, %mul3A_62, %reduce_sum3A_63 [1] : vector<1024x1024xf32> to vector<1024xf32>
    %broadcast_in_dim3A_65 = vector.shape_cast %reduce_sum3A_64 : vector<1024xf32> to vector<1024x1xf32>
    %slice3A_66 = vector.extract_strided_slice %div3A_40 {offsets = [2, 0], sizes = [1, 1], strides = [1, 1]} : vector<3x1xf32> to vector<1x1xf32>
    %squeeze3A_67 = vector.extract %slice3A_66[0, 0] : f32 from vector<1x1xf32>
    %mul3A_68 = vector.broadcast %squeeze3A_67 : f32 to vector<1024x1xf32>
    %mul3A_69 = arith.mulf %broadcast_in_dim3A_65, %mul3A_68 : vector<1024x1xf32>
    %concatenate3A = tpu.concatenate %mul3A_49, %mul3A_59, %mul3A_69 in 1 : vector<1024x1xf32>, vector<1024x1xf32>, vector<1024x1xf32> -> vector<1024x3xf32>
    %mul3A_70 = vector.broadcast %div3A_26 : vector<1024x1xf32> to vector<1024x3xf32>
    %mul3A_71 = arith.mulf %concatenate3A, %mul3A_70 : vector<1024x3xf32>
    %swap3A = arith.constant 0 : index
    %swap3A_72 = arith.constant 0 : index
    %swap3A_73 = vector.load %arg6[%swap3A, %swap3A_72] : memref<1024x3xf32, #tpu.memory_space<vmem>>, vector<1024x3xf32>
    tpu.vector_store %arg6[%swap3A, %swap3A_72], %mul3A_71 {strides = array<i32>} : memref<1024x3xf32, #tpu.memory_space<vmem>>, vector<1024x3xf32>,
    return
  }
  func.func @transform_0(%arg0: i32) -> (i32, i32) {
    %c0_i32 = arith.constant 0 : i32
    %c0_i32_0 = arith.constant 0 : i32
    return %arg0, %c0_i32 : i32, i32
  }
  func.func @transform_1(%arg0: i32) -> (i32, i32) {
    %c0_i32 = arith.constant 0 : i32
    %c0_i32_0 = arith.constant 0 : i32
    return %arg0, %c0_i32 : i32, i32
  }
  func.func @transform_2(%arg0: i32) -> (i32, i32, i32) {
    %c0_i32 = arith.constant 0 : i32
    %c0_i32_0 = arith.constant 0 : i32
    %c0_i32_1 = arith.constant 0 : i32
    return %arg0, %c0_i32, %c0_i32_0 : i32, i32, i32
  }
  func.func @transform_3(%arg0: i32) -> (i32, i32) {
    %c0_i32 = arith.constant 0 : i32
    %c0_i32_0 = arith.constant 0 : i32
    %c0_i32_1 = arith.constant 0 : i32
    return %c0_i32, %c0_i32_0 : i32, i32
  }
  func.func @transform_4(%arg0: i32) -> (i32, i32) {
    %c0_i32 = arith.constant 0 : i32
    %c0_i32_0 = arith.constant 0 : i32
    %c0_i32_1 = arith.constant 0 : i32
    return %c0_i32, %c0_i32_0 : i32, i32
  }
  func.func @transform_5(%arg0: i32) -> (i32, i32) {
    %c0_i32 = arith.constant 0 : i32
    %c0_i32_0 = arith.constant 0 : i32
    return %arg0, %c0_i32 : i32, i32
  }
}

</mosaic_0001>

<sc_bundles>
// kernel: kernel.4.cloned.1.call-start
scs
__scs_entry_jumppad:
0x0: {  	(pc) =	sbr.rel $0x88, $3  }
0x1: {  	(tag) =	ssettag $0x0;
	lr =	simm.s32 $0x1  }
0x2: {  	[smem:$0x3F9B] =	sst lr;
	_ =	strace $0xD0000000  }
0x3: {  	_ = 	snop  }
0x4: {  	_ = 	snop  }
0x5: {  	_ = 	snop  }
0x6: {  	_ = 	snop  }
0x7: {  	_ = 	snop  }
__scs_overlays_trampoline_lowered:
0x8: {  	[smem:$0x3FAA] =	sst s0  }
0x9: {  	[smem:$0x3FAB] =	sst s1  }
0xa: {  	[smem:$0x3FAC] =	sst s2  }
0xb: {  	[smem:$0x3FAD] =	sst s3  }
0xc: {  	[smem:$0x3FAE] =	sst s4  }
0xd: {  	[smem:$0x3FAF] =	sst s5  }
0xe: {  	[smem:$0x3FB0] =	sst s6  }
0xf: {  	[smem:$0x3FB1] =	sst s7  }
0x10: {  	[smem:$0x3FB2] =	sst s8  }
0x11: {  	[smem:$0x3FB3] =	sst s9;
	s0 =	simm.s32 @!p0 $0x0  }
0x12: {  	s1 =	sld [smem:$0x3F99];
	s0 =	simm.s32 @p0 $0x1  }
0x13: {  	[smem:$0x3FB4] =	sst s0;
	s0 =	simm.s32 @!p1 $0x0  }
0x14: {  	s2 =	sld [smem:$0x3F98];
	s0 =	simm.s32 @p1 $0x1  }
0x15: {  	[smem:$0x3FB5] =	sst s0;
	s0 =	simm.s32 @!p2 $0x0  }
0x16: {  	s3 =	sld [smem:$0x3FDB];
	s0 =	simm.s32 @p2 $0x1  }
0x17: {  	s4 =	simm.s32 $0x1BF5;
	[smem:$0x3FB7] =	sst s0  }
0x18: {  	s0 =	sld [smem:$0x3F9A];
	_ =	swait.ge [sflag:s4], $0x0  }
0x19: {  	s7 =	sld [smem:$0x3F9B]  }
0x1a: {  	s8 =	sadd.s32 $0xFFFFE003, lr  }
0x1b: {  	s9 =	sadd.s32 $0xFFFFFEF7, lr;
	s5 =	simm.s32 $0xFFFFFFFF;
	p2 =	slt.u32 s8, $0xFFFFF086  }
0x1c: {  	p1 =	slt.u32 s9, $0xF7A;
	s5 =	simm.s32 @!p2 $0x0  }
0x1d: {  	s5 =	simm.s32 @p1 $0x1;
	p0 =	seq.s32 s7, s2  }
0x1e: {  	s7 =	smul.u32 @!p0 $0xF7A, s2;
	p2 =	seq.s32 @!p0 s5, $0x0  }
0x1f: {  	s9 =	smul.u32 $0xF7A, s1;
	s8 =	simm.s32 @!p0 $0x1BF5;
	p2 =	por !p2, p0  }
0x20: {  	[sflag:s8] =	ssyncset.s32 @!p0 $0xFFFFF086;
	s6 =	sadd.s32 @!p0 s3, s7;
	s7 =	simm.s32 @!p0 $0x108  }
0x21: {  	s3 =	sadd.s32 s3, s9;
	s6 =	sadd.s32 @!p0 $0x88, s6;
	s7 =	simm.s32 @p2 $0x1082  }
0x22: {  	[simem:s7], [sflag:s8] =	dma.local @!p0 [hbm:s6], $0xF7A  }
0x23: {  	s9 =	sor.u32 $0xD0000000, s2;
	s6 =	simm.s32 $0x108;
	_ =	swait.ge @!p0 [sflag:s8], $0x0  }
0x24: {  	s3 =	sadd.s32 $0x88, s3;
	s6 =	simm.s32 @!p1 $0x1082;
	[sflag:s4] =	ssyncset.s32 $0xFFFFF086  }
0x25: {  	[simem:s6], [sflag:s4] =	dma.local [hbm:s3], $0xF7A  }
0x26: {  	[smem:$0x3F9B] =	sst s1;
	(tag) =	ssettag s2;
	_ =	strace s9  }
0x27: {  	s1 =	sld [smem:$0x3FAB]  }
0x28: {  	s2 =	sld [smem:$0x3FAC]  }
0x29: {  	s4 =	sld [smem:$0x3FAE]  }
0x2a: {  	p0 =	seq.s32 s5, $0x0;
	s5 =	sld [smem:$0x3FAF]  }
0x2b: {  	s6 =	sld [smem:$0x3FB0]  }
0x2c: {  	s7 =	sld [smem:$0x3FB1]  }
0x2d: {  	s3 =	simm.s32 $0x108;
	s8 =	sld [smem:$0x3FB2]  }
0x2e: {  	s3 =	simm.s32 @!p0 $0x1082;
	s9 =	sld [smem:$0x3FB3]  }
0x2f: {  	lr =	sadd.s32 s0, s3;
	s0 =	sld [smem:$0x3FAA]  }
0x30: {  	s3 =	sld [smem:$0x3FAD]  }
0x31: {  	[smem:$0x3FB6] =	sst s10  }
0x32: {  	s10 =	sld [smem:$0x3FB4];
	_ =	sdelay $0x3  }
0x33: {  	p0 =	seq.s32 s10, $0x1;
	s10 =	sld [smem:$0x3FB6];
	_ =	sdelay $0x3  }
0x34: {  	[smem:$0x3FB6] =	sst s10  }
0x35: {  	s10 =	sld [smem:$0x3FB5];
	_ =	sdelay $0x3  }
0x36: {  	p1 =	seq.s32 s10, $0x1;
	s10 =	sld [smem:$0x3FB6];
	_ =	sdelay $0x3  }
0x37: {  	[smem:$0x3FB6] =	sst s10  }
0x38: {  	s10 =	sld [smem:$0x3FB7]  }
0x39: {  	_ = 	snop;
	(pc) =	sbr.ind lr, $3  }
0x3a: {  	_ = 	snop  }
0x3b: {  	_ = 	snop  }
0x3c: {  	p2 =	seq.s32 s10, $0x1;
	s10 =	sld [smem:$0x3FB6]  }
0x3d: {  	_ =	shalt  }
0x3e: {  	_ =	shalt  }
0x3f: {  	_ =	shalt  }
0x40: {  	_ =	shalt  }
0x41: {  	_ =	shalt  }
0x42: {  	_ =	shalt  }
0x43: {  	_ =	shalt  }
0x44: {  	_ =	shalt  }
0x45: {  	_ =	shalt  }
0x46: {  	_ =	shalt  }
0x47: {  	_ =	shalt  }
0x48: {  	_ =	shalt  }
0x49: {  	_ =	shalt  }
0x4a: {  	_ =	shalt  }
0x4b: {  	_ =	shalt  }
0x4c: {  	_ =	shalt  }
0x4d: {  	_ =	shalt  }
0x4e: {  	_ =	shalt  }
0x4f: {  	_ =	shalt  }
0x50: {  	_ =	shalt  }
0x51: {  	_ =	shalt  }
0x52: {  	_ =	shalt  }
0x53: {  	_ =	shalt  }
0x54: {  	_ =	shalt  }
0x55: {  	_ =	shalt  }
0x56: {  	_ =	shalt  }
0x57: {  	_ =	shalt  }
0x58: {  	_ =	shalt  }
0x59: {  	_ =	shalt  }
0x5a: {  	_ =	shalt  }
0x5b: {  	_ =	shalt  }
0x5c: {  	_ =	shalt  }
0x5d: {  	_ =	shalt  }
0x5e: {  	_ =	shalt  }
0x5f: {  	_ =	shalt  }
0x60: {  	_ =	shalt  }
0x61: {  	_ =	shalt  }
0x62: {  	_ =	shalt  }
0x63: {  	_ =	shalt  }
0x64: {  	_ =	shalt  }
0x65: {  	_ =	shalt  }
0x66: {  	_ =	shalt  }
0x67: {  	_ =	shalt  }
0x68: {  	_ =	shalt  }
0x69: {  	_ =	shalt  }
0x6a: {  	_ =	shalt  }
0x6b: {  	_ =	shalt  }
0x6c: {  	_ =	shalt  }
0x6d: {  	_ =	shalt  }
0x6e: {  	_ =	shalt  }
0x6f: {  	_ =	shalt  }
0x70: {  	_ =	shalt  }
0x71: {  	_ =	shalt  }
0x72: {  	_ =	shalt  }
0x73: {  	_ =	shalt  }
0x74: {  	_ =	shalt  }
0x75: {  	_ =	shalt  }
0x76: {  	_ =	shalt  }
0x77: {  	_ =	shalt  }
0x78: {  	_ =	shalt  }
0x79: {  	_ =	shalt  }
0x7a: {  	_ =	shalt  }
0x7b: {  	_ =	shalt  }
0x7c: {  	_ =	shalt  }
0x7d: {  	_ =	shalt  }
0x7e: {  	_ =	shalt  }
0x7f: {  	_ =	shalt  }
0x80: {  	_ =	shalt  }
0x81: {  	_ =	shalt  }
0x82: {  	_ =	shalt  }
0x83: {  	_ =	shalt  }
0x84: {  	_ =	shalt  }
0x85: {  	_ =	shalt  }
0x86: {  	_ =	shalt  }
0x87: {  	_ =	shalt  }
.Lfunc_end0:
.L_simem_size_0:
called_computation.1_lowered:
.L_overlay_start_0:
0x88: {  	s2 =	sld [smem:$0x3FD9]  }
0x89: {  	s3 =	sld [smem:$0x3FFE];
	_ =	sdelay $0x1  }
0x8a: {  	s1 =	srdreg.scid  }
0x8b: {  	s0 =	sand.u32 $0x1, s1  }
0x8c: {  	s17 =	sshll.u32 s0, $0xA;
	s2 =	sadd.s32 s3, s2  }
0x8d: {  	s2 =	sadd.s32 s2, s17  }
0x8e: {  	[smem:$0x3FC2] =	sst s2  }
0x8f: {  	_ = 	snop  }
0x90: {  	s2 =	sld [smem:$0x3FC4];
	(tm) =	ssettm $0x1  }
0x91: {  	s18 =	sld [smem:$0x3FFB];
	_ =	sdelay $0x3  }
0x92: {  	_ =	strace s18  }
0x93: {  	s3 =	sld [smem:$0x3FFC];
	_ =	sdelay $0x3  }
0x94: {  	_ =	strace s3  }
0x95: {  	s3 =	sld [smem:$0x3FFD];
	_ =	sdelay $0x3  }
0x96: {  	_ =	strace s3  }
0x97: {  	_ =	strace $0x8FFFFFFF  }
0x98: {  	s19 =	sld [smem:$0x3FDB];
	_ =	sdelay $0x1  }
0x99: {  	s4 =	simm.s32 $_scs_section_size  }
0x9a: {  	s5 =	simm.s32 $_size__tile_overlayer_lowered;
	s6 =	simm.s32 $_tile_overlayer_lowered  }
0x9b: {  	s22 =	simm.s32 $0x1BFF;
	s21 =	sshll.u32 s6, $0x1;
	s3 =	sadd.s32 s4, s19  }
0x9c: {  	s7 =	simm.s32 $0x0;
	s20 =	sshll.u32 s5, $0x1;
	s5 =	sadd.s32 s21, s3  }
0x9d: {  	[timem:s7], [sflag:s22] =	dma.local [hbm:s5], s20  }
0x9e: {  	_ =	swait.ge [sflag:s22], s20  }
0x9f: {  	s4 =	ssub.s32 $0x0, s20;
	[sflag:s22] =	ssyncset.done $0x0  }
0xa0: {  	[sflag:s22] =	ssyncadd.s32 s4;
	_ =	sdelay $0x1  }
0xa1: {  	s23 =	simm.s32 $0x1B8B  }
0xa2: {  	_ =	swait.ge [sflag:s23], $0x1  }
0xa3: {  	[sflag:s23] =	ssyncset.done $0x0  }
0xa4: {  	s25 =	simm.s32 $0x1B8E;
	s24 =	sld [smem:$0x3FFE];
	[sflag:s23] =	ssyncadd.s32 $0xFFFFFFFF  }
0xa5: {  	s26 =	simm.s32 $execute0_lowered;
	[smem:$0x3FD2] =	sst s25  }
0xa6: {  	s5 =	sshll.u32 s26, $0x1;
	_ =	strace $0x80000049;
	[dreg:$0x1] =	wrdreg $0xFFFFFFFF  }
0xa7: {  	s28 =	simm.s32 $_size_execute0_lowered;
	s3 =	sadd.s32 s3, s5;
	[dreg:$0x0] =	wrdreg $0x0  }
0xa8: {  	s5 =	sshll.u32 s28, $0x1;
	[dreg:$0x2] =	wrdreg s3  }
0xa9: {  	[dreg:$0x3] =	wrdreg s5  }
0xaa: {  	[dreg:$0x4] =	wrdreg $0xC0  }
0xab: {  	_ =	task [dreg:s7], $0x5FFFF  }
0xac: {  	[dreg:$0x1] =	wrdreg $0xFFFFFFFF  }
0xad: {  	[dreg:$0x0] =	wrdreg $0x60  }
0xae: {  	[dreg:$0x2] =	wrdreg s24  }
0xaf: {  	[dreg:$0x3] =	wrdreg s2  }
0xb0: {  	[dreg:$0x4] =	wrdreg $0x9  }
0xb1: {  	_ =	task.clear_ibuf [dreg:s7], $0x5FFFF;
	_ =	strace $0x90000049  }
0xb2: {  	s29 =	simm.s32 $0x9;
	_ =	strace $0x8000004B  }
0xb3: {  	_ =	swait.ge [sflag:s29], $0x1  }
0xb4: {  	[sflag:s29] =	ssyncadd.s32 $0xFFFFFFFF  }
0xb5: {  	_ =	strace $0x9000004B  }
0xb6: {  	_ =	sfence  }
0xb7: {  	s30 =	sld [smem:$0x0];
	_ =	sdelay $0x2  }
0xb8: {  	s31 =	sshll.u32 s1, $0xD;
	s1 =	sshrl.u32 s1, $0x2  }
0xb9: {  	s3 =	sand.u32 $0x4000, s31;
	s1 =	sadd.s32 s1, s30  }
0xba: {  	s0 =	sor.u32 s3, s0;
	s1 =	sshll.u32 s1, $0x11  }
0xbb: {  	s0 =	sor.u32 s1, s0  }
0xbc: {  	s0 =	sadd.s32 $0x8F2B, s0  }
0xbd: {  	[sflag:s0] =	ssyncadd.remote.s32 $0x1  }
0xbe: {  	_ =	sfence.sel $0xFFFF  }
0xbf: {  	[dreg:$0x0] =	wrdreg $0xFFFFFFFF;
	(pc) =	sbr.abs _section_cstart, $3  }
0xc0: {  	[dreg:$0x1] =	wrdreg $0xFFFFFFFF  }
0xc1: {  	_ =	task.clear_ibuf [dreg:s7], $0x2FFFF;
	_ =	strace $0x9FFFFFFF  }
0xc2: {  	(tm) =	ssettm $0x7FFFFFFF  }
0xc3: {  	_ =	shalt  }
tec
execute0_lowered:
.L_overlay_start_1:
0x0: {  	(tag) =	ssettag $0x1  }
0x1: {  	s1 =	srdreg.scid  }
0x2: {  	s0 =	stileid.u32;
	s1 =	sand.u32 $0x1, s1  }
0x3: {  	s4 =	rddreg [dreg:$0x0];
	s5 =	sshll.u32 s0, $0xA;
	s6 =	sshll.u32 s1, $0x9  }
0x4: {  	s3 =	rddreg [dreg:$0x1];
	s5 =	sor.u32 s6, s5  }
0x5: {  	s2 =	simm.s32 $0x0;
	s6 =	sshll.u32 s5, $0x7;
	s5 =	sshrl.u32 s5, $0x3  }
0x6: {  	[smem:$0x7FF] =	sst s2;
	s31 =	sadd.s32 s6, s4;
	s3 =	sadd.s32 s3, s5  }
0x7: {  	_ =	strace $0x8000004A;
	[dreg:$0x3] =	wrdreg s3;
	s15 =	sadd.s32 $0xC35C00, s31  }
0x8: {  	s16 =	sadd.s32 $0xC36C00, s31;
	[dreg:$0x4] =	wrdreg s15  }
0x9: {  	s17 =	sadd.s32 $0xC37C00, s31;
	[dreg:$0x5] =	wrdreg s16  }
0xa: {  	s18 =	sadd.s32 $0xC38C00, s31;
	[dreg:$0x6] =	wrdreg s17  }
0xb: {  	s19 =	sadd.s32 $0xC39C00, s31;
	[dreg:$0x7] =	wrdreg s18  }
0xc: {  	s20 =	sadd.s32 $0xC3AC00, s31;
	[dreg:$0x8] =	wrdreg s19  }
0xd: {  	s21 =	sadd.s32 $0xC3BC00, s31;
	[dreg:$0x9] =	wrdreg s20  }
0xe: {  	s22 =	sadd.s32 $0xC3CC00, s31;
	[dreg:$0xa] =	wrdreg s21  }
0xf: {  	s23 =	sadd.s32 $0xC3DC00, s31;
	[dreg:$0xb] =	wrdreg s22  }
0x10: {  	[dreg:$0xc] =	wrdreg s23  }
0x11: {  	s24 =	sadd.s32 $0xC3EC00, s31;
	s25 =	rddreg [dreg:$0x3]  }
0x12: {  	s26 =	sadd.s32 $0xC3FC00, s31;
	[dreg:$0xd] =	wrdreg s24  }
0x13: {  	s3 =	simm.s32 $0x5;
	[dreg:$0xe] =	wrdreg s26  }
0x14: {  	[tilespmem:s2], [sflag:$0x5] =	stream.linear.gather [hbm4b:s25+s2], $0x200, $0x38;
	[tilespmem:$0x10200] =	vst v63  }
0x15: {  	_ =	swait.ge [sflag:s3], $0x200  }
0x16: {  	s7 =	simm.s32 $0x1;
	s4 =	sadd.s32 $0xC00, s4;
	[sflag:s3] =	ssyncset.done $0x0  }
0x17: {  	s5 =	simm.s32 $0x20;
	s6 =	simm.s32 $0x200;
	[sflag:s3] =	ssyncadd.s32 $0xFFFFFE00  }
0x18: {  	[tilespmem:s6], [sflag:$0x1] =	stream.indirect.gather [hbm4b:s4+s5], $0x400, s2, s5, $0xb8;
	[tilespmem:$0x10200] =	vst v63  }
0x19: {  	_ =	swait.ge [sflag:s7], $0x8000  }
0x1a: {  	[sflag:s7] =	ssyncset.done $0x0  }
0x1b: {  	s8 =	rddreg [dreg:$0x4];
	[sflag:s7] =	ssyncadd.s32 $0xFFFF8000  }
0x1c: {  	[hbm4b:s8+s2] =	stream.linear.scatter [tilespmem:s6], [sflag:$0x3], $0x8000, $0x38;
	[tilespmem:$0x10200] =	vst v63  }
0x1d: {  	s9 =	simm.s32 $0x2;
	s8 =	simm.s32 $0x8200  }
0x1e: {  	[tilespmem:s8], [sflag:$0x2] =	stream.indirect.gather [hbm4b:s4+s5], $0x400, s5, s5, $0xb8;
	[tilespmem:$0x10200] =	vst v63  }
0x1f: {  	_ =	swait.ge [sflag:s9], $0x8000  }
0x20: {  	[sflag:s9] =	ssyncset.done $0x0  }
0x21: {  	s10 =	simm.s32 $0x3;
	s11 =	rddreg [dreg:$0x5];
	[sflag:s9] =	ssyncadd.s32 $0xFFFF8000  }
0x22: {  	[hbm4b:s11+s2] =	stream.linear.scatter [tilespmem:s8], [sflag:$0x4], $0x8000, $0x38;
	[tilespmem:$0x10200] =	vst v63  }
0x23: {  	_ =	swait.ge [sflag:s10], $0x8000  }
0x24: {  	[sflag:s10] =	ssyncset.done $0x0  }
0x25: {  	s11 =	simm.s32 $0x40;
	[sflag:s10] =	ssyncadd.s32 $0xFFFF8000  }
0x26: {  	[tilespmem:s6], [sflag:$0x1] =	stream.indirect.gather [hbm4b:s4+s5], $0x400, s11, s5, $0xb8;
	[tilespmem:$0x10200] =	vst v63  }
0x27: {  	_ =	swait.ge [sflag:s7], $0x8000  }
0x28: {  	[sflag:s7] =	ssyncset.done $0x0  }
0x29: {  	s12 =	simm.s32 $0x4;
	s13 =	rddreg [dreg:$0x6];
	[sflag:s7] =	ssyncadd.s32 $0xFFFF8000  }
0x2a: {  	[hbm4b:s13+s2] =	stream.linear.scatter [tilespmem:s6], [sflag:$0x3], $0x8000, $0x38;
	[tilespmem:$0x10200] =	vst v63  }
0x2b: {  	_ =	swait.ge [sflag:s12], $0x8000  }
0x2c: {  	[sflag:s12] =	ssyncset.done $0x0  }
0x2d: {  	s13 =	simm.s32 $0x60;
	[sflag:s12] =	ssyncadd.s32 $0xFFFF8000  }
0x2e: {  	[tilespmem:s8], [sflag:$0x2] =	stream.indirect.gather [hbm4b:s4+s5], $0x400, s13, s5, $0xb8;
	[tilespmem:$0x10200] =	vst v63  }
0x2f: {  	_ =	swait.ge [sflag:s9], $0x8000  }
0x30: {  	[sflag:s9] =	ssyncset.done $0x0  }
0x31: {  	s14 =	rddreg [dreg:$0x7];
	[sflag:s9] =	ssyncadd.s32 $0xFFFF8000  }
0x32: {  	[hbm4b:s14+s2] =	stream.linear.scatter [tilespmem:s8], [sflag:$0x4], $0x8000, $0x38;
	[tilespmem:$0x10200] =	vst v63  }
0x33: {  	_ =	swait.ge [sflag:s10], $0x8000  }
0x34: {  	[sflag:s10] =	ssyncset.done $0x0  }
0x35: {  	s14 =	simm.s32 $0x80;
	[sflag:s10] =	ssyncadd.s32 $0xFFFF8000  }
0x36: {  	[tilespmem:s6], [sflag:$0x1] =	stream.indirect.gather [hbm4b:s4+s5], $0x400, s14, s5, $0xb8;
	[tilespmem:$0x10200] =	vst v63  }
0x37: {  	_ =	swait.ge [sflag:s7], $0x8000  }
0x38: {  	[sflag:s7] =	ssyncset.done $0x0  }
0x39: {  	s15 =	rddreg [dreg:$0x8];
	[sflag:s7] =	ssyncadd.s32 $0xFFFF8000  }
0x3a: {  	[hbm4b:s15+s2] =	stream.linear.scatter [tilespmem:s6], [sflag:$0x3], $0x8000, $0x38;
	[tilespmem:$0x10200] =	vst v63  }
0x3b: {  	_ =	swait.ge [sflag:s12], $0x8000  }
0x3c: {  	[sflag:s12] =	ssyncset.done $0x0  }
0x3d: {  	s15 =	simm.s32 $0xA0;
	[sflag:s12] =	ssyncadd.s32 $0xFFFF8000  }
0x3e: {  	[tilespmem:s8], [sflag:$0x2] =	stream.indirect.gather [hbm4b:s4+s5], $0x400, s15, s5, $0xb8;
	[tilespmem:$0x10200] =	vst v63  }
0x3f: {  	_ =	swait.ge [sflag:s9], $0x8000  }
0x40: {  	[sflag:s9] =	ssyncset.done $0x0  }
0x41: {  	s16 =	rddreg [dreg:$0x9];
	[sflag:s9] =	ssyncadd.s32 $0xFFFF8000  }
0x42: {  	[hbm4b:s16+s2] =	stream.linear.scatter [tilespmem:s8], [sflag:$0x4], $0x8000, $0x38;
	[tilespmem:$0x10200] =	vst v63  }
0x43: {  	_ =	swait.ge [sflag:s10], $0x8000  }
0x44: {  	[sflag:s10] =	ssyncset.done $0x0  }
0x45: {  	s16 =	simm.s32 $0xC0;
	[sflag:s10] =	ssyncadd.s32 $0xFFFF8000  }
0x46: {  	[tilespmem:s6], [sflag:$0x1] =	stream.indirect.gather [hbm4b:s4+s5], $0x400, s16, s5, $0xb8;
	[tilespmem:$0x10200] =	vst v63  }
0x47: {  	_ =	swait.ge [sflag:s7], $0x8000  }
0x48: {  	[sflag:s7] =	ssyncset.done $0x0  }
0x49: {  	s17 =	rddreg [dreg:$0xa];
	[sflag:s7] =	ssyncadd.s32 $0xFFFF8000  }
0x4a: {  	[hbm4b:s17+s2] =	stream.linear.scatter [tilespmem:s6], [sflag:$0x3], $0x8000, $0x38;
	[tilespmem:$0x10200] =	vst v63  }
0x4b: {  	_ =	swait.ge [sflag:s12], $0x8000  }
0x4c: {  	[sflag:s12] =	ssyncset.done $0x0  }
0x4d: {  	s17 =	simm.s32 $0xE0;
	[sflag:s12] =	ssyncadd.s32 $0xFFFF8000  }
0x4e: {  	[tilespmem:s8], [sflag:$0x2] =	stream.indirect.gather [hbm4b:s4+s5], $0x400, s17, s5, $0xb8;
	[tilespmem:$0x10200] =	vst v63  }
0x4f: {  	_ =	swait.ge [sflag:s9], $0x8000  }
0x50: {  	[sflag:s9] =	ssyncset.done $0x0  }
0x51: {  	s18 =	rddreg [dreg:$0xb];
	[sflag:s9] =	ssyncadd.s32 $0xFFFF8000  }
0x52: {  	[hbm4b:s18+s2] =	stream.linear.scatter [tilespmem:s8], [sflag:$0x4], $0x8000, $0x38;
	[tilespmem:$0x10200] =	vst v63  }
0x53: {  	_ =	swait.ge [sflag:s10], $0x8000  }
0x54: {  	[sflag:s10] =	ssyncset.done $0x0  }
0x55: {  	s18 =	simm.s32 $0x100;
	[sflag:s10] =	ssyncadd.s32 $0xFFFF8000  }
0x56: {  	[tilespmem:s6], [sflag:$0x1] =	stream.indirect.gather [hbm4b:s4+s5], $0x400, s18, s5, $0xb8;
	[tilespmem:$0x10200] =	vst v63  }
0x57: {  	_ =	swait.ge [sflag:s7], $0x8000  }
0x58: {  	[sflag:s7] =	ssyncset.done $0x0  }
0x59: {  	s19 =	rddreg [dreg:$0xc];
	[sflag:s7] =	ssyncadd.s32 $0xFFFF8000  }
0x5a: {  	[hbm4b:s19+s2] =	stream.linear.scatter [tilespmem:s6], [sflag:$0x3], $0x8000, $0x38;
	[tilespmem:$0x10200] =	vst v63  }
0x5b: {  	_ =	swait.ge [sflag:s12], $0x8000  }
0x5c: {  	[sflag:s12] =	ssyncset.done $0x0  }
0x5d: {  	s19 =	simm.s32 $0x120;
	[sflag:s12] =	ssyncadd.s32 $0xFFFF8000  }
0x5e: {  	[tilespmem:s8], [sflag:$0x2] =	stream.indirect.gather [hbm4b:s4+s5], $0x400, s19, s5, $0xb8;
	[tilespmem:$0x10200] =	vst v63  }
0x5f: {  	_ =	swait.ge [sflag:s9], $0x8000  }
0x60: {  	[sflag:s9] =	ssyncset.done $0x0  }
0x61: {  	s20 =	rddreg [dreg:$0xd];
	[sflag:s9] =	ssyncadd.s32 $0xFFFF8000  }
0x62: {  	[hbm4b:s20+s2] =	stream.linear.scatter [tilespmem:s8], [sflag:$0x4], $0x8000, $0x38;
	[tilespmem:$0x10200] =	vst v63  }
0x63: {  	_ =	swait.ge [sflag:s10], $0x8000  }
0x64: {  	[sflag:s10] =	ssyncset.done $0x0  }
0x65: {  	s20 =	simm.s32 $0x140;
	[sflag:s10] =	ssyncadd.s32 $0xFFFF8000  }
0x66: {  	[tilespmem:s6], [sflag:$0x1] =	stream.indirect.gather [hbm4b:s4+s5], $0x400, s20, s5, $0xb8;
	[tilespmem:$0x10200] =	vst v63  }
0x67: {  	_ =	swait.ge [sflag:s7], $0x8000  }
0x68: {  	[sflag:s7] =	ssyncset.done $0x0  }
0x69: {  	s21 =	rddreg [dreg:$0xe];
	[sflag:s7] =	ssyncadd.s32 $0xFFFF8000  }
0x6a: {  	[hbm4b:s21+s2] =	stream.linear.scatter [tilespmem:s6], [sflag:$0x3], $0x8000, $0x38;
	[tilespmem:$0x10200] =	vst v63  }
0x6b: {  	_ =	swait.ge [sflag:s12], $0x8000  }
0x6c: {  	[sflag:s12] =	ssyncset.done $0x0  }
0x6d: {  	s21 =	simm.s32 $0x160;
	[sflag:s12] =	ssyncadd.s32 $0xFFFF8000  }
0x6e: {  	[tilespmem:s8], [sflag:$0x2] =	stream.indirect.gather [hbm4b:s4+s5], $0x400, s21, s5, $0xb8;
	[tilespmem:$0x10200] =	vst v63  }
0x6f: {  	_ =	swait.ge [sflag:s9], $0x8000  }
0x70: {  	[sflag:s9] =	ssyncset.done $0x0  }
0x71: {  	s22 =	sadd.s32 $0xC40C00, s31;
	[sflag:s9] =	ssyncadd.s32 $0xFFFF8000  }
0x72: {  	[hbm4b:s22+s2] =	stream.linear.scatter [tilespmem:s8], [sflag:$0x4], $0x8000, $0x38;
	[tilespmem:$0x10200] =	vst v63  }
0x73: {  	_ =	swait.ge [sflag:s10], $0x8000  }
0x74: {  	[sflag:s10] =	ssyncset.done $0x0  }
0x75: {  	s23 =	simm.s32 $0x180;
	[sflag:s10] =	ssyncadd.s32 $0xFFFF8000  }
0x76: {  	[tilespmem:s6], [sflag:$0x1] =	stream.indirect.gather [hbm4b:s4+s5], $0x400, s23, s5, $0xb8;
	[tilespmem:$0x10200] =	vst v63  }
0x77: {  	_ =	swait.ge [sflag:s7], $0x8000  }
0x78: {  	[sflag:s7] =	ssyncset.done $0x0  }
0x79: {  	s24 =	sadd.s32 $0xC41C00, s31;
	[sflag:s7] =	ssyncadd.s32 $0xFFFF8000  }
0x7a: {  	[hbm4b:s24+s2] =	stream.linear.scatter [tilespmem:s6], [sflag:$0x3], $0x8000, $0x38;
	[tilespmem:$0x10200] =	vst v63  }
0x7b: {  	_ =	swait.ge [sflag:s12], $0x8000  }
0x7c: {  	[sflag:s12] =	ssyncset.done $0x0  }
0x7d: {  	s25 =	simm.s32 $0x1A0;
	[sflag:s12] =	ssyncadd.s32 $0xFFFF8000  }
0x7e: {  	[tilespmem:s8], [sflag:$0x2] =	stream.indirect.gather [hbm4b:s4+s5], $0x400, s25, s5, $0xb8;
	[tilespmem:$0x10200] =	vst v63  }
0x7f: {  	_ =	swait.ge [sflag:s9], $0x8000  }
0x80: {  	[sflag:s9] =	ssyncset.done $0x0  }
0x81: {  	s26 =	sadd.s32 $0xC42C00, s31;
	[sflag:s9] =	ssyncadd.s32 $0xFFFF8000  }
0x82: {  	[hbm4b:s26+s2] =	stream.linear.scatter [tilespmem:s8], [sflag:$0x4], $0x8000, $0x38;
	[tilespmem:$0x10200] =	vst v63  }
0x83: {  	_ =	swait.ge [sflag:s10], $0x8000  }
0x84: {  	[sflag:s10] =	ssyncset.done $0x0  }
0x85: {  	s28 =	simm.s32 $0x1C0;
	[sflag:s10] =	ssyncadd.s32 $0xFFFF8000  }
0x86: {  	[tilespmem:s6], [sflag:$0x1] =	stream.indirect.gather [hbm4b:s4+s5], $0x400, s28, s5, $0xb8;
	[tilespmem:$0x10200] =	vst v63  }
0x87: {  	_ =	swait.ge [sflag:s7], $0x8000  }
0x88: {  	[sflag:s7] =	ssyncset.done $0x0  }
0x89: {  	s29 =	sadd.s32 $0xC43C00, s31;
	[sflag:s7] =	ssyncadd.s32 $0xFFFF8000  }
0x8a: {  	[hbm4b:s29+s2] =	stream.linear.scatter [tilespmem:s6], [sflag:$0x3], $0x8000, $0x38;
	[tilespmem:$0x10200] =	vst v63  }
0x8b: {  	_ =	swait.ge [sflag:s12], $0x8000  }
0x8c: {  	s1 =	ssub.s32 $0x2, s1;
	[sflag:s12] =	ssyncset.done $0x0  }
0x8d: {  	s30 =	simm.s32 $0x1E0;
	s0 =	sshrl.u32 s1, $0x1;
	[sflag:s12] =	ssyncadd.s32 $0xFFFF8000  }
0x8e: {  	[tilespmem:s8], [sflag:$0x2] =	stream.indirect.gather [hbm4b:s4+s5], $0x400, s30, s5, $0xb8;
	[tilespmem:$0x10200] =	vst v63  }
0x8f: {  	s0 =	ssub.s32 s1, s0;
	_ =	swait.ge [sflag:s9], $0x8000  }
0x90: {  	s0 =	smax.u32 s0, $0x1;
	[sflag:s9] =	ssyncset.done $0x0  }
0x91: {  	p0 =	sne.s32 s0, $0x1;
	s31 =	sadd.s32 $0xC44C00, s31;
	[sflag:s9] =	ssyncadd.s32 $0xFFFF8000  }
0x92: {  	[hbm4b:s31+s2] =	stream.linear.scatter [tilespmem:s8], [sflag:$0x4], $0x8000, $0x38;
	[tilespmem:$0x10200] =	vst v63  }
.Ltmp0:
0x93: {  	_ =	swait.ge [sflag:s10], $0x8000;
	(pc) =	sbr.rel @!p0 .LBB2_2-.Ltmp0, $4  }
0x94: {  	[sflag:s10] =	ssyncset.done $0x0  }
0x95: {  	[sflag:s10] =	ssyncadd.s32 $0xFFFF8000  }
0x96: {  	_ =	swait.ge [sflag:s12], $0x8000  }
0x97: {  	s1 =	sadd.s32 $0xFFFFFFFF, s0;
	[sflag:s12] =	ssyncset.done $0x0  }
.LBB2_1:
0x98: {  	s0 =	rddreg [dreg:$0x3];
	[sflag:s12] =	ssyncadd.s32 $0xFFFF8000  }
0x99: {  	[tilespmem:s2], [sflag:$0x5] =	stream.linear.gather [hbm4b:s0+s2], $0x200, $0x38;
	[tilespmem:$0x10200] =	vst v63  }
0x9a: {  	_ =	swait.ge [sflag:s3], $0x200  }
0x9b: {  	[sflag:s3] =	ssyncset.done $0x0  }
0x9c: {  	[sflag:s3] =	ssyncadd.s32 $0xFFFFFE00  }
0x9d: {  	[tilespmem:s6], [sflag:$0x1] =	stream.indirect.gather [hbm4b:s4+s5], $0x400, s2, s5, $0xb8;
	[tilespmem:$0x10200] =	vst v63  }
0x9e: {  	_ =	swait.ge [sflag:s7], $0x8000  }
0x9f: {  	[sflag:s7] =	ssyncset.done $0x0  }
0xa0: {  	s0 =	rddreg [dreg:$0x4];
	[sflag:s7] =	ssyncadd.s32 $0xFFFF8000  }
0xa1: {  	[hbm4b:s0+s2] =	stream.linear.scatter [tilespmem:s6], [sflag:$0x3], $0x8000, $0x38;
	[tilespmem:$0x10200] =	vst v63  }
0xa2: {  	_ = 	snop  }
0xa3: {  	[tilespmem:s8], [sflag:$0x2] =	stream.indirect.gather [hbm4b:s4+s5], $0x400, s5, s5, $0xb8;
	[tilespmem:$0x10200] =	vst v63  }
0xa4: {  	_ =	swait.ge [sflag:s9], $0x8000  }
0xa5: {  	[sflag:s9] =	ssyncset.done $0x0  }
0xa6: {  	s0 =	rddreg [dreg:$0x5];
	[sflag:s9] =	ssyncadd.s32 $0xFFFF8000  }
0xa7: {  	[hbm4b:s0+s2] =	stream.linear.scatter [tilespmem:s8], [sflag:$0x4], $0x8000, $0x38;
	[tilespmem:$0x10200] =	vst v63  }
0xa8: {  	_ =	swait.ge [sflag:s10], $0x8000  }
0xa9: {  	[sflag:s10] =	ssyncset.done $0x0  }
0xaa: {  	[sflag:s10] =	ssyncadd.s32 $0xFFFF8000  }
0xab: {  	[tilespmem:s6], [sflag:$0x1] =	stream.indirect.gather [hbm4b:s4+s5], $0x400, s11, s5, $0xb8;
	[tilespmem:$0x10200] =	vst v63  }
0xac: {  	_ =	swait.ge [sflag:s7], $0x8000  }
0xad: {  	[sflag:s7] =	ssyncset.done $0x0  }
0xae: {  	s0 =	rddreg [dreg:$0x6];
	[sflag:s7] =	ssyncadd.s32 $0xFFFF8000  }
0xaf: {  	[hbm4b:s0+s2] =	stream.linear.scatter [tilespmem:s6], [sflag:$0x3], $0x8000, $0x38;
	[tilespmem:$0x10200] =	vst v63  }
0xb0: {  	_ =	swait.ge [sflag:s12], $0x8000  }
0xb1: {  	[sflag:s12] =	ssyncset.done $0x0  }
0xb2: {  	[sflag:s12] =	ssyncadd.s32 $0xFFFF8000  }
0xb3: {  	[tilespmem:s8], [sflag:$0x2] =	stream.indirect.gather [hbm4b:s4+s5], $0x400, s13, s5, $0xb8;
	[tilespmem:$0x10200] =	vst v63  }
0xb4: {  	_ =	swait.ge [sflag:s9], $0x8000  }
0xb5: {  	[sflag:s9] =	ssyncset.done $0x0  }
0xb6: {  	s0 =	rddreg [dreg:$0x7];
	[sflag:s9] =	ssyncadd.s32 $0xFFFF8000  }
0xb7: {  	[hbm4b:s0+s2] =	stream.linear.scatter [tilespmem:s8], [sflag:$0x4], $0x8000, $0x38;
	[tilespmem:$0x10200] =	vst v63  }
0xb8: {  	_ =	swait.ge [sflag:s10], $0x8000  }
0xb9: {  	[sflag:s10] =	ssyncset.done $0x0  }
0xba: {  	[sflag:s10] =	ssyncadd.s32 $0xFFFF8000  }
0xbb: {  	[tilespmem:s6], [sflag:$0x1] =	stream.indirect.gather [hbm4b:s4+s5], $0x400, s14, s5, $0xb8;
	[tilespmem:$0x10200] =	vst v63  }
0xbc: {  	_ =	swait.ge [sflag:s7], $0x8000  }
0xbd: {  	[sflag:s7] =	ssyncset.done $0x0  }
0xbe: {  	s0 =	rddreg [dreg:$0x8];
	[sflag:s7] =	ssyncadd.s32 $0xFFFF8000  }
0xbf: {  	[hbm4b:s0+s2] =	stream.linear.scatter [tilespmem:s6], [sflag:$0x3], $0x8000, $0x38;
	[tilespmem:$0x10200] =	vst v63  }
0xc0: {  	_ =	swait.ge [sflag:s12], $0x8000  }
0xc1: {  	[sflag:s12] =	ssyncset.done $0x0  }
0xc2: {  	[sflag:s12] =	ssyncadd.s32 $0xFFFF8000  }
0xc3: {  	[tilespmem:s8], [sflag:$0x2] =	stream.indirect.gather [hbm4b:s4+s5], $0x400, s15, s5, $0xb8;
	[tilespmem:$0x10200] =	vst v63  }
0xc4: {  	_ =	swait.ge [sflag:s9], $0x8000  }
0xc5: {  	[sflag:s9] =	ssyncset.done $0x0  }
0xc6: {  	s0 =	rddreg [dreg:$0x9];
	[sflag:s9] =	ssyncadd.s32 $0xFFFF8000  }
0xc7: {  	[hbm4b:s0+s2] =	stream.linear.scatter [tilespmem:s8], [sflag:$0x4], $0x8000, $0x38;
	[tilespmem:$0x10200] =	vst v63  }
0xc8: {  	_ =	swait.ge [sflag:s10], $0x8000  }
0xc9: {  	[sflag:s10] =	ssyncset.done $0x0  }
0xca: {  	[sflag:s10] =	ssyncadd.s32 $0xFFFF8000  }
0xcb: {  	[tilespmem:s6], [sflag:$0x1] =	stream.indirect.gather [hbm4b:s4+s5], $0x400, s16, s5, $0xb8;
	[tilespmem:$0x10200] =	vst v63  }
0xcc: {  	_ =	swait.ge [sflag:s7], $0x8000  }
0xcd: {  	[sflag:s7] =	ssyncset.done $0x0  }
0xce: {  	s0 =	rddreg [dreg:$0xa];
	[sflag:s7] =	ssyncadd.s32 $0xFFFF8000  }
0xcf: {  	[hbm4b:s0+s2] =	stream.linear.scatter [tilespmem:s6], [sflag:$0x3], $0x8000, $0x38;
	[tilespmem:$0x10200] =	vst v63  }
0xd0: {  	_ =	swait.ge [sflag:s12], $0x8000  }
0xd1: {  	[sflag:s12] =	ssyncset.done $0x0  }
0xd2: {  	[sflag:s12] =	ssyncadd.s32 $0xFFFF8000  }
0xd3: {  	[tilespmem:s8], [sflag:$0x2] =	stream.indirect.gather [hbm4b:s4+s5], $0x400, s17, s5, $0xb8;
	[tilespmem:$0x10200] =	vst v63  }
0xd4: {  	_ =	swait.ge [sflag:s9], $0x8000  }
0xd5: {  	[sflag:s9] =	ssyncset.done $0x0  }
0xd6: {  	s0 =	rddreg [dreg:$0xb];
	[sflag:s9] =	ssyncadd.s32 $0xFFFF8000  }
0xd7: {  	[hbm4b:s0+s2] =	stream.linear.scatter [tilespmem:s8], [sflag:$0x4], $0x8000, $0x38;
	[tilespmem:$0x10200] =	vst v63  }
0xd8: {  	_ =	swait.ge [sflag:s10], $0x8000  }
0xd9: {  	[sflag:s10] =	ssyncset.done $0x0  }
0xda: {  	[sflag:s10] =	ssyncadd.s32 $0xFFFF8000  }
0xdb: {  	[tilespmem:s6], [sflag:$0x1] =	stream.indirect.gather [hbm4b:s4+s5], $0x400, s18, s5, $0xb8;
	[tilespmem:$0x10200] =	vst v63  }
0xdc: {  	_ =	swait.ge [sflag:s7], $0x8000  }
0xdd: {  	[sflag:s7] =	ssyncset.done $0x0  }
0xde: {  	s0 =	rddreg [dreg:$0xc];
	[sflag:s7] =	ssyncadd.s32 $0xFFFF8000  }
0xdf: {  	[hbm4b:s0+s2] =	stream.linear.scatter [tilespmem:s6], [sflag:$0x3], $0x8000, $0x38;
	[tilespmem:$0x10200] =	vst v63  }
0xe0: {  	_ =	swait.ge [sflag:s12], $0x8000  }
0xe1: {  	[sflag:s12] =	ssyncset.done $0x0  }
0xe2: {  	[sflag:s12] =	ssyncadd.s32 $0xFFFF8000  }
0xe3: {  	[tilespmem:s8], [sflag:$0x2] =	stream.indirect.gather [hbm4b:s4+s5], $0x400, s19, s5, $0xb8;
	[tilespmem:$0x10200] =	vst v63  }
0xe4: {  	_ =	swait.ge [sflag:s9], $0x8000  }
0xe5: {  	[sflag:s9] =	ssyncset.done $0x0  }
0xe6: {  	s0 =	rddreg [dreg:$0xd];
	[sflag:s9] =	ssyncadd.s32 $0xFFFF8000  }
0xe7: {  	[hbm4b:s0+s2] =	stream.linear.scatter [tilespmem:s8], [sflag:$0x4], $0x8000, $0x38;
	[tilespmem:$0x10200] =	vst v63  }
0xe8: {  	_ =	swait.ge [sflag:s10], $0x8000  }
0xe9: {  	[sflag:s10] =	ssyncset.done $0x0  }
0xea: {  	[sflag:s10] =	ssyncadd.s32 $0xFFFF8000  }
0xeb: {  	[tilespmem:s6], [sflag:$0x1] =	stream.indirect.gather [hbm4b:s4+s5], $0x400, s20, s5, $0xb8;
	[tilespmem:$0x10200] =	vst v63  }
0xec: {  	_ =	swait.ge [sflag:s7], $0x8000  }
0xed: {  	[sflag:s7] =	ssyncset.done $0x0  }
0xee: {  	s0 =	rddreg [dreg:$0xe];
	[sflag:s7] =	ssyncadd.s32 $0xFFFF8000  }
0xef: {  	[hbm4b:s0+s2] =	stream.linear.scatter [tilespmem:s6], [sflag:$0x3], $0x8000, $0x38;
	[tilespmem:$0x10200] =	vst v63  }
0xf0: {  	_ =	swait.ge [sflag:s12], $0x8000  }
0xf1: {  	[sflag:s12] =	ssyncset.done $0x0  }
0xf2: {  	[sflag:s12] =	ssyncadd.s32 $0xFFFF8000  }
0xf3: {  	[tilespmem:s8], [sflag:$0x2] =	stream.indirect.gather [hbm4b:s4+s5], $0x400, s21, s5, $0xb8;
	[tilespmem:$0x10200] =	vst v63  }
0xf4: {  	_ =	swait.ge [sflag:s9], $0x8000  }
0xf5: {  	[sflag:s9] =	ssyncset.done $0x0  }
0xf6: {  	[sflag:s9] =	ssyncadd.s32 $0xFFFF8000  }
0xf7: {  	[hbm4b:s22+s2] =	stream.linear.scatter [tilespmem:s8], [sflag:$0x4], $0x8000, $0x38;
	[tilespmem:$0x10200] =	vst v63  }
0xf8: {  	_ =	swait.ge [sflag:s10], $0x8000  }
0xf9: {  	[sflag:s10] =	ssyncset.done $0x0  }
0xfa: {  	[sflag:s10] =	ssyncadd.s32 $0xFFFF8000  }
0xfb: {  	[tilespmem:s6], [sflag:$0x1] =	stream.indirect.gather [hbm4b:s4+s5], $0x400, s23, s5, $0xb8;
	[tilespmem:$0x10200] =	vst v63  }
0xfc: {  	_ =	swait.ge [sflag:s7], $0x8000  }
0xfd: {  	[sflag:s7] =	ssyncset.done $0x0  }
0xfe: {  	[sflag:s7] =	ssyncadd.s32 $0xFFFF8000  }
0xff: {  	[hbm4b:s24+s2] =	stream.linear.scatter [tilespmem:s6], [sflag:$0x3], $0x8000, $0x38;
	[tilespmem:$0x10200] =	vst v63  }
0x100: {  	_ =	swait.ge [sflag:s12], $0x8000  }
0x101: {  	[sflag:s12] =	ssyncset.done $0x0  }
0x102: {  	[sflag:s12] =	ssyncadd.s32 $0xFFFF8000  }
0x103: {  	[tilespmem:s8], [sflag:$0x2] =	stream.indirect.gather [hbm4b:s4+s5], $0x400, s25, s5, $0xb8;
	[tilespmem:$0x10200] =	vst v63  }
0x104: {  	_ =	swait.ge [sflag:s9], $0x8000  }
0x105: {  	[sflag:s9] =	ssyncset.done $0x0  }
0x106: {  	[sflag:s9] =	ssyncadd.s32 $0xFFFF8000  }
0x107: {  	[hbm4b:s26+s2] =	stream.linear.scatter [tilespmem:s8], [sflag:$0x4], $0x8000, $0x38;
	[tilespmem:$0x10200] =	vst v63  }
0x108: {  	_ =	swait.ge [sflag:s10], $0x8000  }
0x109: {  	[sflag:s10] =	ssyncset.done $0x0  }
0x10a: {  	[sflag:s10] =	ssyncadd.s32 $0xFFFF8000  }
0x10b: {  	[tilespmem:s6], [sflag:$0x1] =	stream.indirect.gather [hbm4b:s4+s5], $0x400, s28, s5, $0xb8;
	[tilespmem:$0x10200] =	vst v63  }
0x10c: {  	_ =	swait.ge [sflag:s7], $0x8000  }
0x10d: {  	[sflag:s7] =	ssyncset.done $0x0  }
0x10e: {  	[sflag:s7] =	ssyncadd.s32 $0xFFFF8000  }
0x10f: {  	[hbm4b:s29+s2] =	stream.linear.scatter [tilespmem:s6], [sflag:$0x3], $0x8000, $0x38;
	[tilespmem:$0x10200] =	vst v63  }
0x110: {  	_ =	swait.ge [sflag:s12], $0x8000  }
0x111: {  	[sflag:s12] =	ssyncset.done $0x0  }
0x112: {  	[sflag:s12] =	ssyncadd.s32 $0xFFFF8000  }
0x113: {  	[tilespmem:s8], [sflag:$0x2] =	stream.indirect.gather [hbm4b:s4+s5], $0x400, s30, s5, $0xb8;
	[tilespmem:$0x10200] =	vst v63  }
0x114: {  	_ =	swait.ge [sflag:s9], $0x8000  }
0x115: {  	[sflag:s9] =	ssyncset.done $0x0  }
0x116: {  	p0 =	sne.s32 s1, $0x1;
	[sflag:s9] =	ssyncadd.s32 $0xFFFF8000  }
0x117: {  	[hbm4b:s31+s2] =	stream.linear.scatter [tilespmem:s8], [sflag:$0x4], $0x8000, $0x38;
	[tilespmem:$0x10200] =	vst v63  }
.Ltmp1:
0x118: {  	_ =	swait.ge [sflag:s10], $0x8000;
	(pc) =	sbr.rel @p0 .LBB2_1-.Ltmp1, $4  }
0x119: {  	[sflag:s10] =	ssyncset.done $0x0  }
0x11a: {  	[sflag:s10] =	ssyncadd.s32 $0xFFFF8000  }
0x11b: {  	_ =	swait.ge [sflag:s12], $0x8000  }
0x11c: {  	s1 =	sadd.s32 $0xFFFFFFFF, s1;
	[sflag:s12] =	ssyncset.done $0x0  }
.LBB2_2:
0x11d: {  	[sflag:s12] =	ssyncadd.s32 $0xFFFF8000  }
0x11e: {  	_ =	sfence.sel $0x180000  }
0x11f: {  	[bflag:$0x0] =	sbarrier.arrive $0xFFFF  }
0x120: {  	_ =	strace $0x9000004A  }
0x121: {  	s0 =	stileid.u32;
	[bflag:$0x2] =	sbarrier.arrive $0xFFFF  }
0x122: {  	p0 =	sne.s32 s0, $0x0;
	s0 =	rddreg [dreg:$0x2]  }
0x123: {  	s0 =	sadd.s32 @!p0 $0x100000, s0  }
0x124: {  	[sflag:s0] =	ssyncadd.tile.s32 @!p0 $0x1;
	_ =	shalt  }
.Lfunc_end2:
_tile_overlayer_lowered:
.L_overlay_start_2:
0x125: {  	(tag) =	ssettag $0x2  }
0x126: {  	s0 =	rddreg [dreg:$0x0];
	s2 =	stileid.u32  }
0x127: {  	s1 =	rddreg [dreg:$0x1];
	p0 =	sne.s32 s2, $0x0  }
0x128: {  	s3 =	rddreg [dreg:$0x2];
	[bflag:$0x3] =	sbarrier.arrive $0xFFFF;
	s2 =	simm.s32 @!p0 $0x1C05  }
0x129: {  	[timem:s3], [sflag:s2] =	dma.local @!p0 [hbm:s0], s1  }
0x12a: {  	s0 =	simm.s32 @!p0 $0x5  }
0x12b: {  	_ =	swait.ge @!p0 [sflag:s0], s1  }
0x12c: {  	s1 =	ssub.s32 @!p0 $0x0, s1;
	[sflag:s0] =	ssyncset.done @!p0 $0x0  }
0x12d: {  	[sflag:s0] =	ssyncadd.s32 @!p0 s1  }
0x12e: {  	[bflag:$0x3] =	sbarrier.arrive $0xFFFF  }
0x12f: {  	_ =	shalt  }

// kernel: sparse-core-data-format-call.cloned.1.call-start
scs
called_computation_lowered:
.L_overlay_start_0:
0x0: {  	s2 =	sld [smem:$0x3FD9]  }
0x1: {  	s3 =	sld [smem:$0x3FFE];
	_ =	sdelay $0x1  }
0x2: {  	s1 =	srdreg.scid  }
0x3: {  	s0 =	sand.u32 $0x1, s1  }
0x4: {  	s18 =	sshll.u32 s0, $0xA;
	s2 =	sadd.s32 s3, s2  }
0x5: {  	s2 =	sadd.s32 s2, s18  }
0x6: {  	[smem:$0x3FC2] =	sst s2  }
0x7: {  	_ = 	snop  }
0x8: {  	s2 =	sld [smem:$0x3FC7];
	(tm) =	ssettm $0x1  }
0x9: {  	s19 =	sld [smem:$0x3FFB];
	_ =	sdelay $0x3  }
0xa: {  	_ =	strace s19  }
0xb: {  	s3 =	sld [smem:$0x3FFC];
	_ =	sdelay $0x3  }
0xc: {  	_ =	strace s3  }
0xd: {  	s3 =	sld [smem:$0x3FFD];
	_ =	sdelay $0x3  }
0xe: {  	_ =	strace s3  }
0xf: {  	_ =	strace $0x8FFFFFFF  }
0x10: {  	s20 =	sld [smem:$0x3FDB];
	_ =	sdelay $0x1  }
0x11: {  	s4 =	simm.s32 $_scs_section_size  }
0x12: {  	s5 =	simm.s32 $_size__tile_overlayer_lowered;
	s6 =	simm.s32 $_tile_overlayer_lowered  }
0x13: {  	s23 =	simm.s32 $0x1BFF;
	s22 =	sshll.u32 s6, $0x1;
	s3 =	sadd.s32 s4, s20  }
0x14: {  	s7 =	simm.s32 $0x0;
	s21 =	sshll.u32 s5, $0x1;
	s5 =	sadd.s32 s22, s3  }
0x15: {  	[timem:s7], [sflag:s23] =	dma.local [hbm:s5], s21  }
0x16: {  	_ =	swait.ge [sflag:s23], s21  }
0x17: {  	s4 =	ssub.s32 $0x0, s21;
	[sflag:s23] =	ssyncset.done $0x0  }
0x18: {  	[sflag:s23] =	ssyncadd.s32 s4;
	_ =	sdelay $0x1  }
0x19: {  	s24 =	simm.s32 $0x1B8B  }
0x1a: {  	_ =	swait.ge [sflag:s24], $0x1  }
0x1b: {  	[sflag:s24] =	ssyncset.done $0x0  }
0x1c: {  	s26 =	simm.s32 $0x1B8E;
	s25 =	sld [smem:$0x3FFE];
	[sflag:s24] =	ssyncadd.s32 $0xFFFFFFFF  }
0x1d: {  	s27 =	simm.s32 $execute0_lowered;
	[smem:$0x3FD2] =	sst s26  }
0x1e: {  	s5 =	sshll.u32 s27, $0x1;
	_ =	strace $0x80000046;
	[dreg:$0x1] =	wrdreg $0xFFFFFFFF  }
0x1f: {  	s28 =	simm.s32 $_size_execute0_lowered;
	s3 =	sadd.s32 s3, s5;
	[dreg:$0x0] =	wrdreg $0x0  }
0x20: {  	s5 =	sshll.u32 s28, $0x1;
	[dreg:$0x2] =	wrdreg s3  }
0x21: {  	[dreg:$0x3] =	wrdreg s5  }
0x22: {  	[dreg:$0x4] =	wrdreg $0xC0  }
0x23: {  	_ =	task [dreg:s7], $0x5FFFF  }
0x24: {  	[dreg:$0x1] =	wrdreg $0xFFFFFFFF  }
0x25: {  	[dreg:$0x0] =	wrdreg $0x60  }
0x26: {  	[dreg:$0x2] =	wrdreg s2  }
0x27: {  	[dreg:$0x3] =	wrdreg s25  }
0x28: {  	[dreg:$0x4] =	wrdreg $0x9  }
0x29: {  	_ =	task.clear_ibuf [dreg:s7], $0x5FFFF;
	_ =	strace $0x90000046  }
0x2a: {  	s29 =	simm.s32 $0x9;
	_ =	strace $0x80000048  }
0x2b: {  	_ =	swait.ge [sflag:s29], $0x1  }
0x2c: {  	[sflag:s29] =	ssyncadd.s32 $0xFFFFFFFF  }
0x2d: {  	_ =	strace $0x90000048  }
0x2e: {  	_ =	sfence  }
0x2f: {  	s30 =	sld [smem:$0x0];
	_ =	sdelay $0x2  }
0x30: {  	s31 =	sshll.u32 s1, $0xD;
	s1 =	sshrl.u32 s1, $0x2  }
0x31: {  	s3 =	sand.u32 $0x4000, s31;
	s1 =	sadd.s32 s1, s30  }
0x32: {  	s0 =	sor.u32 s3, s0;
	s1 =	sshll.u32 s1, $0x11  }
0x33: {  	s0 =	sor.u32 s1, s0  }
0x34: {  	s0 =	sadd.s32 $0x8F2B, s0  }
0x35: {  	[sflag:s0] =	ssyncadd.remote.s32 $0x1  }
0x36: {  	_ =	sfence.sel $0xFFFF  }
0x37: {  	[dreg:$0x0] =	wrdreg $0xFFFFFFFF;
	(pc) =	sbr.abs _section_cstart, $3  }
0x38: {  	[dreg:$0x1] =	wrdreg $0xFFFFFFFF  }
0x39: {  	_ =	task.clear_ibuf [dreg:s7], $0x2FFFF;
	_ =	strace $0x9FFFFFFF  }
0x3a: {  	(tm) =	ssettm $0x7FFFFFFF  }
0x3b: {  	_ =	shalt  }
tec
execute0_lowered:
.L_overlay_start_1:
0x0: {  	(tag) =	ssettag $0x1  }
0x1: {  	s0 =	srdreg.scid  }
0x2: {  	s1 =	sshll.u32 s0, $0x4  }
0x3: {  	s2 =	rddreg [dreg:$0x0];
	s0 =	stileid.u32;
	s1 =	sand.u32 $0x10, s1  }
0x4: {  	s4 =	rddreg [dreg:$0x1];
	s7 =	simm.s32 $0x1;
	s1 =	sor.u32 s0, s1  }
0x5: {  	s8 =	simm.s32 $0x2;
	s9 =	simm.s32 $0x0;
	s3 =	sshll.u32 s1, $0x1  }
0x6: {  	s12 =	simm.s32 $0x0;
	s11 =	simm.s32 $0x0;
	s6 =	ssub.s32 $0x30D4, s3  }
.Ltmp0:
0x7: {  	s4 =	sadd.s32 $0xC00, s4;
	s5 =	sand.u32 $0x3E, s6;
	(pc) =	sbr.rel .LBB1_1-.Ltmp0, $4  }
0x8: {  	s1 =	rddreg [dreg:$0x2];
	_ =	strace $0x80000047;
	p0 =	sne.s32 s5, $0x0  }
0x9: {  	s6 =	sshrl.u32 s6, $0x6;
	s5 =	simm.s32 $0x1;
	s7 =	simm.s32 @!p0 $0x0  }
0xa: {  	s10 =	smov.u32 s3;
	[sflag:s5] =	ssyncpa.u1 $0x0;
	s6 =	sadd.s32 s7, s6  }
0xb: {  	[sflag:s8] =	ssyncpa.u1 $0x0;
	s8 =	simm.s32 $0x0;
	s7 =	sadd.s32 $0x1, s6  }
.LBB1_9:
0xc: {  	s14 =	sadd.s32 $0x40, s10  }
0xd: {  	p1 =	sgt.s32 s14, $0x30D3  }
0xe: {  	s14 =	smov.u32 @p1 s3;
	p1 =	sne.s32 s11, s7  }
.Ltmp1:
0xf: {  	p0 =	slt.u32 s11, $0x2;
	(pc) =	sbr.rel @!p1 .LBB1_10-.Ltmp1, $4  }
0x10: {  	s13 =	simm.s32 @!p0 $0x2  }
0x11: {  	s15 =	sadd.s32 $0x1, s11;
	_ =	swait.ge @!p0 [sflag:s13], $0x4000  }
0x12: {  	s12 =	smov.u32 s10;
	s9 =	sadd.s32 $0x4000, s9;
	[sflag:s13] =	ssyncset.done @!p0 $0x0  }
0x13: {  	s11 =	smov.u32 s15;
	s10 =	smov.u32 s14;
	[sflag:s13] =	ssyncadd.s32 @!p0 $0xFFFFC000  }
.LBB1_1:
0x14: {  	p0 =	sge.u32 s11, s6  }
0x15: {  	s13 =	sxor.u32 @!p0 $0xFFFFFFFF, s11  }
0x16: {  	s31 =	sadd.s32 $0xFFFFFFFF, s11;
	s14 =	sshll.u32 @!p0 s10, $0xA;
	s13 =	sshll.u32 @!p0 s13, $0xE  }
0x17: {  	s15 =	simm.s32 @!p0 $0x0;
	s14 =	sadd.s32 @!p0 s2, s14;
	s13 =	sand.u32 @!p0 $0x4000, s13  }
0x18: {  	[tilespmem:s13], [sflag:$0x1] =	stream.linear.gather @!p0 [hbm4b:s14+s15], $0x4000, $0x38;
	[tilespmem:$0x10000] =	vst v63  }
0x19: {  	p0 =	sge.u32 s31, s6  }
.Ltmp2:
0x1a: {  	_ = 	snop;
	(pc) =	sbr.rel @p0 .LBB1_9-.Ltmp2, $1  }
0x1b: {  	_ =	sdelay $0x3  }
0x1c: {  	s13 =	sshll.u32 s9, $0x2  }
0x1d: {  	_ =	swait.ge [sflag:s5], $0x4000;
	s14 =	sshll.u32 s11, $0xE;
	s16 =	simm.s32 $0x0  }
0x1e: {  	p1 =	por $0x1, $0x1;
	s13 =	sand.u32 $0x10000, s13;
	[sflag:s5] =	ssyncset.done $0x0  }
0x1f: {  	s14 =	sand.u32 $0x4000, s14;
	s15 =	sshrl.u32 s13, $0x2;
	[sflag:s5] =	ssyncadd.s32 $0xFFFFC000  }
0x20: {  	s13 =	sor.u32 $0x8000, s14;
	s14 =	sadd.s32 $0x8040, s15;
	s15 =	sadd.s32 $0x40, s15  }
.LBB1_3:
0x21: {  	s16 =	sshll.u32 s16, $0x2  }
0x22: {  	p0 =	por p1, p1;
	s17 =	sshra.s32 s16, $0x2  }
0x23: {  	s18 =	simm.s32 $0x0;
	s16 =	sadd.s32 s17, s14;
	s17 =	sadd.s32 s17, s15  }
.LBB1_4:
0x24: {  	v0 =	vmov s17;
	_ =	sdelay $0x3  }
0x25: {  	s20 =	simm.s32 $0x0  }
0x26: {  	v6 =	vld.idx.msk [tilespmem:v0+s20+$0x30 ss:$0x1], $0xffff  }
0x27: {  	v7 =	vld.idx.msk [tilespmem:v0+s20+$0xFFFFFFC0 ss:$0x1], $0xffff  }
0x28: {  	v5 =	vld.idx.msk [tilespmem:v0+s20+$0xFFFFFFD0 ss:$0x1], $0xffff  }
0x29: {  	v4 =	vld.idx.msk [tilespmem:v0+s20+$0xFFFFFFE0 ss:$0x1], $0xffff  }
0x2a: {  	v3 =	vld.idx.msk [tilespmem:v0+s20+$0xFFFFFFF0 ss:$0x1], $0xffff  }
0x2b: {  	v1 =	vld.idx.msk [tilespmem:v0+s20+$0x0 ss:$0x1], $0xffff  }
0x2c: {  	v2 =	vld.idx.msk [tilespmem:v0+s20+$0x10 ss:$0x1], $0xffff;
	[tilespmem:s16+$0x30] =	vst v6  }
0x2d: {  	s19 =	simm.s32 $0x80;
	s21 =	simm.s32 $0x400;
	[tilespmem:s16+$0xFFFFFFC0] =	vst v7;
	v6 =	vld.idx.msk [tilespmem:v0+s20+$0x20 ss:$0x1], $0xffff;
	s20 =	smov.u32 s16  }
.LBB1_5:
0x2e: {  	p1 =	sne.s32 s21, $0xE00;
	v7 =	vld.idx.msk [tilespmem:v0+s19+$0x30 ss:$0x1], $0xffff;
	[tilespmem:s20+$0xFFFFFFD0] =	vst v5  }
0x2f: {  	v8 =	vld.idx.msk [tilespmem:v0+s19+$0xFFFFFFC0 ss:$0x1], $0xffff;
	[tilespmem:s20+$0xFFFFFFE0] =	vst v4  }
0x30: {  	v5 =	vld.idx.msk [tilespmem:v0+s19+$0xFFFFFFD0 ss:$0x1], $0xffff;
	[tilespmem:s20+$0xFFFFFFF0] =	vst v3  }
.Ltmp3:
0x31: {  	v4 =	vld.idx.msk [tilespmem:v0+s19+$0xFFFFFFE0 ss:$0x1], $0xffff;
	[tilespmem:s20+$0x0] =	vst v1;
	(pc) =	sbr.rel @p1 .LBB1_5-.Ltmp3, $4  }
0x32: {  	v3 =	vld.idx.msk [tilespmem:v0+s19+$0xFFFFFFF0 ss:$0x1], $0xffff;
	[tilespmem:s20+$0x10] =	vst v2  }
0x33: {  	v1 =	vld.idx.msk [tilespmem:v0+s19+$0x0 ss:$0x1], $0xffff;
	[tilespmem:s20+$0x20] =	vst v6;
	s20 =	sadd.s32 $0x400, s20  }
0x34: {  	v2 =	vld.idx.msk [tilespmem:v0+s19+$0x10 ss:$0x1], $0xffff;
	[tilespmem:s20+$0x30] =	vst v7  }
0x35: {  	[tilespmem:s20+$0xFFFFFFC0] =	vst v8;
	v6 =	vld.idx.msk [tilespmem:v0+s19+$0x20 ss:$0x1], $0xffff;
	s19 =	sshra.s32 s21, $0x2;
	s21 =	sadd.s32 $0x200, s21  }
0x36: {  	_ =	sdelay $0x2  }
0x37: {  	[tilespmem:s20+$0xFFFFFFD0] =	vst v5  }
0x38: {  	v56 =	vld.idx.msk [tilespmem:v0+s19+$0x30 ss:$0x1], $0xffff;
	[tilespmem:s20+$0xFFFFFFE0] =	vst v4  }
0x39: {  	v57 =	vld.idx.msk [tilespmem:v0+s19+$0xFFFFFFC0 ss:$0x1], $0xffff;
	[tilespmem:s20+$0xFFFFFFF0] =	vst v3  }
0x3a: {  	v58 =	vld.idx.msk [tilespmem:v0+s19+$0xFFFFFFD0 ss:$0x1], $0xffff;
	[tilespmem:s20+$0x0] =	vst v1  }
0x3b: {  	v59 =	vld.idx.msk [tilespmem:v0+s19+$0xFFFFFFE0 ss:$0x1], $0xffff;
	[tilespmem:s20+$0x10] =	vst v2  }
0x3c: {  	v60 =	vld.idx.msk [tilespmem:v0+s19+$0xFFFFFFF0 ss:$0x1], $0xffff;
	s31 =	sadd.s32 $0x400, s20;
	[tilespmem:s20+$0x20] =	vst v6  }
0x3d: {  	v61 =	vld.idx.msk [tilespmem:v0+s19+$0x0 ss:$0x1], $0xffff;
	[tilespmem:s31+$0x30] =	vst v56  }
0x3e: {  	v62 =	vld.idx.msk [tilespmem:v0+s19+$0x10 ss:$0x1], $0xffff;
	s18 =	sadd.s32 $0x1, s18;
	[tilespmem:s31+$0xFFFFFFC0] =	vst v57  }
0x3f: {  	v63 =	vld.idx.msk [tilespmem:v0+s19+$0x20 ss:$0x1], $0xffff;
	p1 =	sne.s32 s18, $0x8;
	[tilespmem:s31+$0xFFFFFFD0] =	vst v58  }
.Ltmp4:
0x40: {  	[tilespmem:s31+$0xFFFFFFE0] =	vst v59;
	(pc) =	sbr.rel @p1 .LBB1_4-.Ltmp4, $4  }
0x41: {  	[tilespmem:s31+$0xFFFFFFF0] =	vst v60  }
0x42: {  	[tilespmem:s31+$0x0] =	vst v61  }
0x43: {  	[tilespmem:s31+$0x10] =	vst v62  }
0x44: {  	s16 =	sadd.s32 $0x80, s16;
	s17 =	sadd.s32 $0x400, s17;
	[tilespmem:s31+$0x20] =	vst v63  }
.Ltmp5:
0x45: {  	(pc) =	sbr.rel @p0 .LBB1_3-.Ltmp5, $2  }
0x46: {  	_ =	sdelay $0x2  }
0x47: {  	s16 =	simm.s32 $0x2000;
	p1 =	por $0x0, $0x0  }
.Ltmp6:
0x48: {  	(pc) =	sbr.rel .LBB1_9-.Ltmp6, $4  }
0x49: {  	_ = 	snop  }
0x4a: {  	s12 =	sshll.u32 s12, $0xA  }
0x4b: {  	s12 =	sadd.s32 s4, s12  }
0x4c: {  	[hbm4b:s12+s8] =	stream.linear.scatter [tilespmem:s13], [sflag:$0x2], $0x4000, $0x38;
	[tilespmem:$0x10000] =	vst v63  }
.LBB1_10:
0x4d: {  	_ =	sfence.sel $0x180000  }
0x4e: {  	s2 =	simm.s32 $0x1;
	[bflag:$0x0] =	sbarrier.arrive $0xFFFF  }
0x4f: {  	s31 =	simm.s32 $0x2;
	[sflag:s2] =	ssyncpa.u1 $0x1  }
0x50: {  	[sflag:s31] =	ssyncpa.u1 $0x1  }
0x51: {  	p0 =	sne.s32 s0, $0x0;
	_ =	strace $0x90000047  }
0x52: {  	s0 =	sadd.s32 @!p0 $0x100000, s1;
	[bflag:$0x2] =	sbarrier.arrive $0xFFFF  }
0x53: {  	[sflag:s0] =	ssyncadd.tile.s32 @!p0 $0x1;
	_ =	shalt  }
.Lfunc_end1:
_tile_overlayer_lowered:
.L_overlay_start_2:
0x54: {  	(tag) =	ssettag $0x2  }
0x55: {  	s0 =	rddreg [dreg:$0x0];
	s2 =	stileid.u32  }
0x56: {  	s1 =	rddreg [dreg:$0x1];
	p0 =	sne.s32 s2, $0x0  }
0x57: {  	s3 =	rddreg [dreg:$0x2];
	[bflag:$0x3] =	sbarrier.arrive $0xFFFF;
	s2 =	simm.s32 @!p0 $0x1C01  }
0x58: {  	[timem:s3], [sflag:s2] =	dma.local @!p0 [hbm:s0], s1  }
0x59: {  	s0 =	simm.s32 @!p0 $0x1  }
0x5a: {  	_ =	swait.ge @!p0 [sflag:s0], s1  }
0x5b: {  	s1 =	ssub.s32 @!p0 $0x0, s1;
	[sflag:s0] =	ssyncset.done @!p0 $0x0  }
0x5c: {  	[sflag:s0] =	ssyncadd.s32 @!p0 s1  }
0x5d: {  	[bflag:$0x3] =	sbarrier.arrive $0xFFFF  }
0x5e: {  	_ =	shalt  }

</sc_bundles>
